<compile_context>
chip_gen: v7x
topology: tpu7x:2x2x1
jax: 0.10.2.dev20260603
libtpu: 0.0.44.dev20260713+nightly
codegen_flags: <defaults>
</compile_context>

<pallas_src>
import functools

import jax
import jax.numpy as jnp
from jax import lax
from jax.experimental import pallas as pl
from jax.experimental.pallas import tpu as pltpu
from jax.experimental.pallas import tpu_sc as plsc

_B, _S, _D = 2, 2048, 1024
_C = 64
_K = 8
_LB = 128
_NEG = -1e9
_BT = 256
_NB = _S // _BT
_NT = 2 * _B * _NB
_SCALE = 1.0 / 32.0
_HI = jax.lax.Precision.HIGHEST


def _bdot(a_bf, b_bf):
    return jax.lax.dot_general(a_bf, b_bf, (((1,), (1,)), ((), ())),
                               preferred_element_type=jnp.float32)


def _front_body(h_ref, w_ref, b_ref, t_ref, ms_ref, sp_ref, v_ref, pv_ref,
                kc, pkc):
    i = pl.program_id(1)
    t0 = i * _BT

    x = h_ref[...]
    xb = x.astype(jnp.bfloat16)
    q = _bdot(xb, w_ref[0]) + b_ref[0]
    k = _bdot(xb, w_ref[1]) + b_ref[1]
    v = _bdot(xb, w_ref[2]) + b_ref[2]

    xlo = (x - xb.astype(jnp.float32)).astype(jnp.bfloat16)

    def _tdot(t_bf, y_bf):
        return jax.lax.dot_general(t_bf, y_bf, (((1,), (0,)), ((), ())),
                                   preferred_element_type=jnp.float32)

    ps = (_tdot(t_ref[0], xb) + _tdot(t_ref[0], xlo) + _tdot(t_ref[1], xb))
    psb = ps.astype(jnp.bfloat16)
    pk = _bdot(psb, w_ref[3]) + b_ref[3]
    pv = _bdot(psb, w_ref[4]) + b_ref[4]

    kw = jnp.concatenate([kc[...], k], axis=0)
    pkw = jnp.concatenate([pkc[...], pk], axis=0)
    qb = q.astype(jnp.bfloat16)
    kwb = kw.astype(jnp.bfloat16)

    v_ref[0] = v.astype(jnp.bfloat16)
    pv_ref[0] = pv.astype(jnp.bfloat16)
    for half in range(2):
        r0 = half * _LB
        scores = jax.lax.dot_general(
            qb[r0:r0 + _LB], kwb[r0:r0 + 2 * _LB], (((1,), (1,)), ((), ())),
            preferred_element_type=jnp.float32) * _SCALE
        ii = jax.lax.broadcasted_iota(jnp.int32, (_LB, 2 * _LB), 0)
        jj = jax.lax.broadcasted_iota(jnp.int32, (_LB, 2 * _LB), 1)
        valid = (jj >= ii) & (jj < ii + _LB) & (jj + r0 + t0 >= _LB)
        ms_ref[half, :, :] = jnp.where(valid, scores, _NEG)

        kprev = kw[r0 + _LB - 1:r0 + 2 * _LB - 1]
        pkprev = pkw[r0 + _LB - 1:r0 + 2 * _LB - 1]
        seq = jnp.sum(q[r0:r0 + _LB] * kprev, axis=1) * _SCALE
        ph = jnp.sum(q[r0:r0 + _LB] * pkprev, axis=1) * _SCALE
        sp_ref[0, half, 0, :] = seq
        sp_ref[1, half, 0, :] = ph

    kc[...] = k[_BT - _LB:]
    pkc[...] = pk[_BT - _LB:]


def _sc_topk(ms_hbm, st_hbm, tile_v, st_v):
    wid = lax.axis_index("s") * 2 + lax.axis_index("c")
    pltpu.sync_copy(ms_hbm.at[wid], tile_v)
    lanes = lax.iota(jnp.int32, 16)
    neg = jnp.full((16,), _NEG, jnp.float32)

    def _sort_desc(x):
        return plsc.sort_key_val(x, x, descending=True)[0]

    def tok(r, carry):
        ph = r % 16
        base = r * 257 - ph
        phv = jnp.full((16,), ph, jnp.int32)
        vs = [tile_v[pl.ds(base + 16 * g, 16)] for g in range(9)]
        vs[0] = jnp.where(lanes >= phv, vs[0], neg)
        vs[8] = jnp.where(lanes < phv, vs[8], neg)
        ss = [_sort_desc(x) for x in vs]
        while len(ss) > 1:
            nxt = []
            for a, b in zip(ss[::2], ss[1::2]):
                nxt.append(_sort_desc(jnp.maximum(lax.rev(a, (0,)), b)))
            if len(ss) % 2:
                nxt.append(ss[-1])
            ss = nxt
        st_v[r, :] = ss[0]
        return carry

    lax.fori_loop(0, _LB, tok, 0)
    pltpu.sync_copy(st_v, st_hbm.at[wid])


def _back_body(ms_ref, sp_ref, st_ref,
               vp_ref, v0_ref, v1_ref, pvp_ref, pv0_ref, pv1_ref, o_ref):
    vw = jnp.concatenate([vp_ref[0, 0], v0_ref[0, 0], v1_ref[0, 0]], axis=0)
    pvw = jnp.concatenate([pvp_ref[0, 0], pv0_ref[0, 0], pv1_ref[0, 0]], axis=0)
    for half in range(2):
        r0 = half * _LB
        masked = ms_ref[half]
        seq = sp_ref[0, half, 0, :]
        ph = sp_ref[1, half, 0, :]
        thr = st_ref[half, :, 7]
        m1 = st_ref[half, :, 0]
        keep = masked >= thr[:, None]
        m10 = jnp.maximum(jnp.maximum(seq, ph), m1)
        eb = jnp.where(keep, jnp.exp(masked - m10[:, None]), 0.0)
        es = jnp.exp(seq - m10)
        ep = jnp.exp(ph - m10)
        z = es + ep + jnp.sum(eb, axis=1)

        vw_h = vw[r0:r0 + 2 * _LB]
        pvw_h = pvw[r0:r0 + 2 * _LB]
        acc = jax.lax.dot_general(eb.astype(jnp.bfloat16), vw_h,
                                  (((1,), (0,)), ((), ())),
                                  preferred_element_type=jnp.float32)
        acc = acc + es[:, None] * vw_h[_LB - 1:2 * _LB - 1].astype(jnp.float32)
        acc = acc + ep[:, None] * pvw_h[_LB - 1:2 * _LB - 1].astype(jnp.float32)
        out = acc / z[:, None]

        i = pl.program_id(1)
        tvec = i * _BT + r0 + jax.lax.broadcasted_iota(jnp.int32, (_LB, 1), 0)
        o_ref[0, r0:r0 + _LB] = jnp.where(tvec > 0, out, 0.0)


def kernel(h, Wq, bq, Wk, bk, Wv, bv, Wpk, bpk, Wpv, bpv):
    hf = h.reshape(_B * _S, _D)
    wall = jnp.stack([Wq, Wk, Wv, Wpk, Wpv]).astype(jnp.bfloat16)
    ball = jnp.stack([bq, bk, bv, bpk, bpv]).reshape(5, 1, _D)
    rr = jnp.arange(_BT)[:, None]
    cc = jnp.arange(_BT)[None, :]
    tri = ((rr // _C) == (cc // _C)) & (cc <= rr)
    tmat = jnp.where(tri, 1.0 / (1.0 + (rr % _C)), 0.0).astype(jnp.float32)
    tmat_hi = tmat.astype(jnp.bfloat16)
    tmat_lo = (tmat - tmat_hi.astype(jnp.float32)).astype(jnp.bfloat16)
    tpair = jnp.stack([tmat_hi, tmat_lo])

    masked, sp, vfull, pvfull = pl.pallas_call(
        _front_body,
        grid=(_B, _NB),
        in_specs=[
            pl.BlockSpec((_BT, _D), lambda b, i: (b * _NB + i, 0)),
            pl.BlockSpec((5, _D, _D), lambda b, i: (0, 0, 0)),
            pl.BlockSpec((5, 1, _D), lambda b, i: (0, 0, 0)),
            pl.BlockSpec((2, _BT, _BT), lambda b, i: (0, 0, 0)),
        ],
        out_specs=[
            pl.BlockSpec((2, _LB, 2 * _LB), lambda b, i: (b * _NB + i, 0, 0)),
            pl.BlockSpec((2, 2, 1, _LB), lambda b, i: (0, b * _NB + i, 0, 0)),
            pl.BlockSpec((1, _BT, _D), lambda b, i: (b * _NB + i, 0, 0)),
            pl.BlockSpec((1, _BT, _D), lambda b, i: (b * _NB + i, 0, 0)),
        ],
        out_shape=[
            jax.ShapeDtypeStruct((_NT, _LB, 2 * _LB), jnp.float32),
            jax.ShapeDtypeStruct((2, _NT, 1, _LB), jnp.float32),
            jax.ShapeDtypeStruct((_B * _NB, _BT, _D), jnp.bfloat16),
            jax.ShapeDtypeStruct((_B * _NB, _BT, _D), jnp.bfloat16),
        ],
        scratch_shapes=[pltpu.VMEM((_LB, _D), jnp.float32)] * 2,
    )(hf, wall, ball, tpair)

    sc_call = functools.partial(
        pl.kernel,
        out_type=jax.ShapeDtypeStruct((_NT, _LB, 16), jnp.float32),
        mesh=plsc.VectorSubcoreMesh(core_axis_name="c", subcore_axis_name="s"),
        scratch_types=[pltpu.VMEM((_LB * 2 * _LB,), jnp.float32),
                       pltpu.VMEM((_LB, 16), jnp.float32)],
        compiler_params=pltpu.CompilerParams(needs_layout_passes=False),
    )(_sc_topk)
    st = sc_call(masked.reshape(_NT, _LB * 2 * _LB))

    v3 = vfull.reshape(_B, _S // _LB, _LB, _D)
    pv3 = pvfull.reshape(_B, _S // _LB, _LB, _D)

    def vspec(off):
        if off < 0:
            return pl.BlockSpec(
                (1, 1, _LB, _D),
                lambda b, i: (b, jnp.maximum(2 * i - 1, 0), 0, 0))
        return pl.BlockSpec(
            (1, 1, _LB, _D), lambda b, i, off=off: (b, 2 * i + off, 0, 0))

    out = pl.pallas_call(
        _back_body,
        grid=(_B, _NB),
        in_specs=[
            pl.BlockSpec((2, _LB, 2 * _LB), lambda b, i: (b * _NB + i, 0, 0)),
            pl.BlockSpec((2, 2, 1, _LB), lambda b, i: (0, b * _NB + i, 0, 0)),
            pl.BlockSpec((2, _LB, 16), lambda b, i: (b * _NB + i, 0, 0)),
            vspec(-1), vspec(0), vspec(1),
            vspec(-1), vspec(0), vspec(1),
        ],
        out_specs=pl.BlockSpec((1, _BT, _D), lambda b, i: (b, i, 0)),
        out_shape=jax.ShapeDtypeStruct((_B, _S, _D), jnp.float32),
    )(masked, sp, st, v3, v3, v3, pv3, pv3, pv3)
    return out

# --- scband reference (transcript-rebuilt; emitter-appended) ---
"""Pipeline reference for scband-causal-neighbor-graph-mixer-54417235640752 (READ-ONLY COPY).

The authoritative reference and input builder live on the scoring server;
editing this copy changes nothing except your own understanding.
"""

import math
import jax, jax.numpy as jnp
import numpy as np

B, S, D = 2, 2048, 1024
C = 64      # phrase_chunk_size
K = 8       # semantic_topk
LB = 128    # semantic_lookback
NEG = -1e9


def setup_inputs(seed: int = 0) -> dict:
    key = jax.random.key(seed)
    ks = jax.random.split(key, 12)
    h = jax.random.normal(ks[0], (B, S, D), dtype=jnp.float32)
    sc = 1.0 / math.sqrt(D)

    def lin(i):
        W = jax.random.normal(ks[i], (D, D), dtype=jnp.float32) * sc
        b = jax.random.normal(ks[i + 6], (D,), dtype=jnp.float32) * 0.01
        return W, b

    Wq, bq = lin(1)
    Wk, bk = lin(2)
    Wv, bv = lin(3)
    Wpk, bpk = lin(4)
    Wpv, bpv = lin(5)
    return {"h": h, "Wq": Wq, "bq": bq, "Wk": Wk, "bk": bk, "Wv": Wv, "bv": bv,
            "Wpk": Wpk, "bpk": bpk, "Wpv": Wpv, "bpv": bpv}


def _phrase_states(h):
    # causal running mean within each phrase chunk (S divisible by C)
    x = h.reshape(B, S // C, C, D)
    pre = jnp.cumsum(x, axis=2)
    denom = jnp.arange(1, C + 1, dtype=h.dtype).reshape(1, 1, C, 1)
    return (pre / denom).reshape(B, S, D)


def reference(h, Wq, bq, Wk, bk, Wv, bv, Wpk, bpk, Wpv, bpv):
    scale = 1.0 / math.sqrt(D)
    q = h @ Wq.T + bq
    k = h @ Wk.T + bk
    v = h @ Wv.T + bv
    ps = _phrase_states(h)
    pk = ps @ Wpk.T + bpk
    pv = ps @ Wpv.T + bpv

    z1 = jnp.zeros((B, 1, D), h.dtype)
    k_prev = jnp.concatenate([z1, k[:, :-1]], axis=1)
    v_prev = jnp.concatenate([z1, v[:, :-1]], axis=1)
    pk_prev = jnp.concatenate([z1, pk[:, :-1]], axis=1)
    pv_prev = jnp.concatenate([z1, pv[:, :-1]], axis=1)

    # sequence neighbor: previous token
    seq_score = jnp.sum(q * k_prev, axis=-1) * scale          # [B,S]
    # phrase neighbor: causal phrase state of previous token
    phrase_score = jnp.sum(q * pk_prev, axis=-1) * scale      # [B,S]

    # semantic neighbors: topk over causal lookback window
    scores_full = jnp.einsum('btd,bsd->bts', q, k) * scale    # [B,S,S]
    t_idx = jnp.arange(S)[:, None]
    s_idx = jnp.arange(S)[None, :]
    mask = (s_idx < t_idx) & (s_idx >= t_idx - LB)
    masked = jnp.where(mask[None], scores_full, NEG)
    topk_scores, topk_idx = jax.lax.top_k(masked, K)          # [B,S,K]
    sem_values = jax.vmap(lambda vb, ib: vb[ib])(v, topk_idx)  # [B,S,K,D]

    all_scores = jnp.concatenate([seq_score[..., None], topk_scores, phrase_score[..., None]], axis=-1)  # [B,S,K+2]
    all_values = jnp.concatenate([v_prev[:, :, None, :], sem_values, pv_prev[:, :, None, :]], axis=2)    # [B,S,K+2,D]
    w = jax.nn.softmax(all_scores, axis=-1)
    summary = jnp.sum(w[..., None] * all_values, axis=2)       # [B,S,D]

    valid = (jnp.arange(S) > 0)[None, :, None]                 # token 0 has no neighbors
    return jnp.where(valid, summary, 0.0)

if __name__ == "__main__":
    import jax
    _d = setup_inputs()
    print(jax.jit(kernel)(*tuple(_d.values())))

</pallas_src>

<mosaic_0001>
#map = affine_map<(d0, d1) -> (0, 0)>
#map1 = affine_map<(d0, d1) -> (0, 0, 0)>
module attributes {stable_mosaic.version = 14 : i64} {
  func.func @_sc_topk(%arg0: i32, %arg1: i32, %arg2: memref<32x32768xf32, #tpu.memory_space<hbm>>, %arg3: memref<32x128x16xf32, #tpu.memory_space<hbm>>, %arg4: memref<32768xf32, #tpu.memory_space<vmem>>, %arg5: memref<128x16xf32, #tpu.memory_space<vmem>>) attributes {dimension_semantics = [#tpu.dimension_semantics<core_parallel>, #tpu.dimension_semantics<subcore_parallel>], iteration_bounds = array<i64: 2, 16>, scalar_prefetch = 0 : i64, scratch_operands = 2 : i64, tpu.core_type = #tpu.core_type<sc_vector_subcore>, window_params = [{transform_indices = #map}, {transform_indices = #map1}]} {
    %mul3A = arith.constant 2 : i32
    %mul3A_0 = arith.muli %arg1, %mul3A : i32
    %add3A = arith.addi %mul3A_0, %arg0 : i32
    "tpu.region"() ({
      %run_scoped3A = tpu.sem_alloc : memref<!tpu.dma_semaphore, #tpu.memory_space<semaphore_mem>>
      %dma_start3A = arith.constant 0 : i32
      %dma_start3A_7 = tpu.memref_slice %arg2[%add3A, %dma_start3A] : memref<32x32768xf32, #tpu.memory_space<hbm>> -> memref<1x32768xf32, #tpu.memory_space<hbm>>
      %dma_start3A_8 = tpu.memref_squeeze %dma_start3A_7 : memref<1x32768xf32, #tpu.memory_space<hbm>> -> memref<32768xf32, #tpu.memory_space<hbm>>
      %dma_start3A_9 = arith.constant 0 : i32
      %dma_start3A_10 = tpu.memref_slice %arg2[%add3A, %dma_start3A_9] : memref<32x32768xf32, #tpu.memory_space<hbm>> -> memref<1x32768xf32, #tpu.memory_space<hbm>>
      %dma_start3A_11 = tpu.memref_squeeze %dma_start3A_10 : memref<1x32768xf32, #tpu.memory_space<hbm>> -> memref<32768xf32, #tpu.memory_space<hbm>>
      tpu.enqueue_dma source(%dma_start3A_11 : memref<32768xf32, #tpu.memory_space<hbm>>) target(%arg4 : memref<32768xf32, #tpu.memory_space<vmem>>) target_semaphore(%run_scoped3A : memref<!tpu.dma_semaphore, #tpu.memory_space<semaphore_mem>>)
      %dma_wait3A = arith.constant 0 : i32
      %dma_wait3A_12 = tpu.memref_slice %arg2[%add3A, %dma_wait3A] : memref<32x32768xf32, #tpu.memory_space<hbm>> -> memref<1x32768xf32, #tpu.memory_space<hbm>>
      %dma_wait3A_13 = tpu.memref_squeeze %dma_wait3A_12 : memref<1x32768xf32, #tpu.memory_space<hbm>> -> memref<32768xf32, #tpu.memory_space<hbm>>
      %dma_wait3A_14 = arith.constant 0 : i32
      %dma_wait3A_15 = tpu.memref_slice %arg2[%add3A, %dma_wait3A_14] : memref<32x32768xf32, #tpu.memory_space<hbm>> -> memref<1x32768xf32, #tpu.memory_space<hbm>>
      %dma_wait3A_16 = tpu.memref_squeeze %dma_wait3A_15 : memref<1x32768xf32, #tpu.memory_space<hbm>> -> memref<32768xf32, #tpu.memory_space<hbm>>
      tpu.wait_dma2 semaphore(%run_scoped3A : memref<!tpu.dma_semaphore, #tpu.memory_space<semaphore_mem>>) src(%dma_wait3A_16 : memref<32768xf32, #tpu.memory_space<hbm>>) dst(%arg4 : memref<32768xf32, #tpu.memory_space<vmem>>)
      tpu.yield
    }) : () -> ()
    %iota3A = tpu.iota {dimensions = array<i32: 0>} : vector<16xi32>
    %broadcast_in_dim3A = arith.constant -1.000000e+09 : f32
    %broadcast_in_dim3A_1 = vector.broadcast %broadcast_in_dim3A : f32 to vector<16xf32>
    %scan3A = arith.constant 0 : i32
    %scan3A_2 = arith.constant 0 : i32
    %scan3A_3 = arith.constant 128 : i32
    %scan3A_4 = arith.addi %scan3A_2, %scan3A_3 : i32
    %scan3A_5 = arith.constant 1 : i32
    scf.for %scan3A_7 = %scan3A_2 to %scan3A_4 step %scan3A_5  : i32 {
      %jit3A = arith.constant 16 : i32
      %eq3A = arith.constant 0 : i32
      %eq3A_8 = arith.cmpi eq, %jit3A, %eq3A : i32
      %jit3A_9 = arith.constant 1 : i32
      %select_n3A = arith.select %eq3A_8, %jit3A_9, %jit3A : i32
      %rem3A = arith.remsi %scan3A_7, %select_n3A : i32
      %ne3A = arith.constant 0 : i32
      %ne3A_10 = arith.cmpi ne, %rem3A, %ne3A : i32
      %lt3A = arith.constant 0 : i32
      %lt3A_11 = arith.cmpi slt, %rem3A, %lt3A : i32
      %lt3A_12 = arith.constant 0 : i32
      %lt3A_13 = arith.cmpi slt, %select_n3A, %lt3A_12 : i32
      %ne3A_14 = arith.xori %lt3A_11, %lt3A_13 : i1
      %and3A = arith.andi %ne3A_14, %ne3A_10 : i1
      %add3A_15 = arith.addi %rem3A, %select_n3A : i32
      %select_n3A_16 = arith.select %and3A, %add3A_15, %rem3A : i32
      %mul3A_17 = arith.constant 257 : i32
      %mul3A_18 = arith.muli %scan3A_7, %mul3A_17 : i32
      %sub3A = arith.subi %mul3A_18, %select_n3A_16 : i32
      %broadcast_in_dim3A_19 = vector.broadcast %select_n3A_16 : i32 to vector<16xi32>
      %add3A_20 = arith.constant 0 : i32
      %add3A_21 = arith.addi %sub3A, %add3A_20 : i32
      %get3A = arith.index_cast %add3A_21 : i32 to index
      %get3A_22 = tpu.vector_load %arg4[%get3A] {strides = array<i32>} : memref<32768xf32, #tpu.memory_space<vmem>>, vector<16xf32>,
      %add3A_23 = arith.constant 16 : i32
      %add3A_24 = arith.addi %sub3A, %add3A_23 : i32
      %get3A_25 = arith.index_cast %add3A_24 : i32 to index
      %get3A_26 = tpu.vector_load %arg4[%get3A_25] {strides = array<i32>} : memref<32768xf32, #tpu.memory_space<vmem>>, vector<16xf32>,
      %add3A_27 = arith.constant 32 : i32
      %add3A_28 = arith.addi %sub3A, %add3A_27 : i32
      %get3A_29 = arith.index_cast %add3A_28 : i32 to index
      %get3A_30 = tpu.vector_load %arg4[%get3A_29] {strides = array<i32>} : memref<32768xf32, #tpu.memory_space<vmem>>, vector<16xf32>,
      %add3A_31 = arith.constant 48 : i32
      %add3A_32 = arith.addi %sub3A, %add3A_31 : i32
      %get3A_33 = arith.index_cast %add3A_32 : i32 to index
      %get3A_34 = tpu.vector_load %arg4[%get3A_33] {strides = array<i32>} : memref<32768xf32, #tpu.memory_space<vmem>>, vector<16xf32>,
      %add3A_35 = arith.constant 64 : i32
      %add3A_36 = arith.addi %sub3A, %add3A_35 : i32
      %get3A_37 = arith.index_cast %add3A_36 : i32 to index
      %get3A_38 = tpu.vector_load %arg4[%get3A_37] {strides = array<i32>} : memref<32768xf32, #tpu.memory_space<vmem>>, vector<16xf32>,
      %add3A_39 = arith.constant 80 : i32
      %add3A_40 = arith.addi %sub3A, %add3A_39 : i32
      %get3A_41 = arith.index_cast %add3A_40 : i32 to index
      %get3A_42 = tpu.vector_load %arg4[%get3A_41] {strides = array<i32>} : memref<32768xf32, #tpu.memory_space<vmem>>, vector<16xf32>,
      %add3A_43 = arith.constant 96 : i32
      %add3A_44 = arith.addi %sub3A, %add3A_43 : i32
      %get3A_45 = arith.index_cast %add3A_44 : i32 to index
      %get3A_46 = tpu.vector_load %arg4[%get3A_45] {strides = array<i32>} : memref<32768xf32, #tpu.memory_space<vmem>>, vector<16xf32>,
      %add3A_47 = arith.constant 112 : i32
      %add3A_48 = arith.addi %sub3A, %add3A_47 : i32
      %get3A_49 = arith.index_cast %add3A_48 : i32 to index
      %get3A_50 = tpu.vector_load %arg4[%get3A_49] {strides = array<i32>} : memref<32768xf32, #tpu.memory_space<vmem>>, vector<16xf32>,
      %add3A_51 = arith.constant 128 : i32
      %add3A_52 = arith.addi %sub3A, %add3A_51 : i32
      %get3A_53 = arith.index_cast %add3A_52 : i32 to index
      %get3A_54 = tpu.vector_load %arg4[%get3A_53] {strides = array<i32>} : memref<32768xf32, #tpu.memory_space<vmem>>, vector<16xf32>,
      %ge3A = arith.cmpi sge, %iota3A, %broadcast_in_dim3A_19 : vector<16xi32>
      %select_n3A_55 = arith.select %ge3A, %get3A_22, %broadcast_in_dim3A_1 : vector<16xi1>, vector<16xf32>
      %lt3A_56 = arith.cmpi slt, %iota3A, %broadcast_in_dim3A_19 : vector<16xi32>
      %select_n3A_57 = arith.select %lt3A_56, %get3A_54, %broadcast_in_dim3A_1 : vector<16xi1>, vector<16xf32>
      %masked_sort3A = arith.constant dense<true> : vector<16xi1>
      %masked_sort3A_58, %masked_sort3A_59, %masked_sort3A_60 = tpu.sort %select_n3A_55, %select_n3A_55 masked %masked_sort3A {descending = true} : (vector<16xf32>, vector<16xf32>, vector<16xi1>) -> (vector<16xi1>, vector<16xf32>, vector<16xf32>)
      %masked_sort3A_61 = arith.constant dense<true> : vector<16xi1>
      %masked_sort3A_62, %masked_sort3A_63, %masked_sort3A_64 = tpu.sort %get3A_26, %get3A_26 masked %masked_sort3A_61 {descending = true} : (vector<16xf32>, vector<16xf32>, vector<16xi1>) -> (vector<16xi1>, vector<16xf32>, vector<16xf32>)
      %masked_sort3A_65 = arith.constant dense<true> : vector<16xi1>
      %masked_sort3A_66, %masked_sort3A_67, %masked_sort3A_68 = tpu.sort %get3A_30, %get3A_30 masked %masked_sort3A_65 {descending = true} : (vector<16xf32>, vector<16xf32>, vector<16xi1>) -> (vector<16xi1>, vector<16xf32>, vector<16xf32>)
      %masked_sort3A_69 = arith.constant dense<true> : vector<16xi1>
      %masked_sort3A_70, %masked_sort3A_71, %masked_sort3A_72 = tpu.sort %get3A_34, %get3A_34 masked %masked_sort3A_69 {descending = true} : (vector<16xf32>, vector<16xf32>, vector<16xi1>) -> (vector<16xi1>, vector<16xf32>, vector<16xf32>)
      %masked_sort3A_73 = arith.constant dense<true> : vector<16xi1>
      %masked_sort3A_74, %masked_sort3A_75, %masked_sort3A_76 = tpu.sort %get3A_38, %get3A_38 masked %masked_sort3A_73 {descending = true} : (vector<16xf32>, vector<16xf32>, vector<16xi1>) -> (vector<16xi1>, vector<16xf32>, vector<16xf32>)
      %masked_sort3A_77 = arith.constant dense<true> : vector<16xi1>
      %masked_sort3A_78, %masked_sort3A_79, %masked_sort3A_80 = tpu.sort %get3A_42, %get3A_42 masked %masked_sort3A_77 {descending = true} : (vector<16xf32>, vector<16xf32>, vector<16xi1>) -> (vector<16xi1>, vector<16xf32>, vector<16xf32>)
      %masked_sort3A_81 = arith.constant dense<true> : vector<16xi1>
      %masked_sort3A_82, %masked_sort3A_83, %masked_sort3A_84 = tpu.sort %get3A_46, %get3A_46 masked %masked_sort3A_81 {descending = true} : (vector<16xf32>, vector<16xf32>, vector<16xi1>) -> (vector<16xi1>, vector<16xf32>, vector<16xf32>)
      %masked_sort3A_85 = arith.constant dense<true> : vector<16xi1>
      %masked_sort3A_86, %masked_sort3A_87, %masked_sort3A_88 = tpu.sort %get3A_50, %get3A_50 masked %masked_sort3A_85 {descending = true} : (vector<16xf32>, vector<16xf32>, vector<16xi1>) -> (vector<16xi1>, vector<16xf32>, vector<16xf32>)
      %masked_sort3A_89 = arith.constant dense<true> : vector<16xi1>
      %masked_sort3A_90, %masked_sort3A_91, %masked_sort3A_92 = tpu.sort %select_n3A_57, %select_n3A_57 masked %masked_sort3A_89 {descending = true} : (vector<16xf32>, vector<16xf32>, vector<16xi1>) -> (vector<16xi1>, vector<16xf32>, vector<16xf32>)
      %rev3A = arith.constant 15 : i32
      %rev3A_93 = vector.broadcast %rev3A : i32 to vector<16xi32>
      %rev3A_94 = tpu.iota {dimensions = array<i32: 0>} : vector<16xi32>
      %rev3A_95 = arith.subi %rev3A_93, %rev3A_94 : vector<16xi32>
      %rev3A_96 = tpu.dynamic_gather %masked_sort3A_59[%rev3A_95] in [0] : vector<16xf32>, vector<16xi32> -> vector<16xf32>
      %max3A = arith.maximumf %rev3A_96, %masked_sort3A_63 : vector<16xf32>
      %masked_sort3A_97 = arith.constant dense<true> : vector<16xi1>
      %masked_sort3A_98, %masked_sort3A_99, %masked_sort3A_100 = tpu.sort %max3A, %max3A masked %masked_sort3A_97 {descending = true} : (vector<16xf32>, vector<16xf32>, vector<16xi1>) -> (vector<16xi1>, vector<16xf32>, vector<16xf32>)
      %rev3A_101 = arith.constant 15 : i32
      %rev3A_102 = vector.broadcast %rev3A_101 : i32 to vector<16xi32>
      %rev3A_103 = tpu.iota {dimensions = array<i32: 0>} : vector<16xi32>
      %rev3A_104 = arith.subi %rev3A_102, %rev3A_103 : vector<16xi32>
      %rev3A_105 = tpu.dynamic_gather %masked_sort3A_67[%rev3A_104] in [0] : vector<16xf32>, vector<16xi32> -> vector<16xf32>
      %max3A_106 = arith.maximumf %rev3A_105, %masked_sort3A_71 : vector<16xf32>
      %masked_sort3A_107 = arith.constant dense<true> : vector<16xi1>
      %masked_sort3A_108, %masked_sort3A_109, %masked_sort3A_110 = tpu.sort %max3A_106, %max3A_106 masked %masked_sort3A_107 {descending = true} : (vector<16xf32>, vector<16xf32>, vector<16xi1>) -> (vector<16xi1>, vector<16xf32>, vector<16xf32>)
      %rev3A_111 = arith.constant 15 : i32
      %rev3A_112 = vector.broadcast %rev3A_111 : i32 to vector<16xi32>
      %rev3A_113 = tpu.iota {dimensions = array<i32: 0>} : vector<16xi32>
      %rev3A_114 = arith.subi %rev3A_112, %rev3A_113 : vector<16xi32>
      %rev3A_115 = tpu.dynamic_gather %masked_sort3A_75[%rev3A_114] in [0] : vector<16xf32>, vector<16xi32> -> vector<16xf32>
      %max3A_116 = arith.maximumf %rev3A_115, %masked_sort3A_79 : vector<16xf32>
      %masked_sort3A_117 = arith.constant dense<true> : vector<16xi1>
      %masked_sort3A_118, %masked_sort3A_119, %masked_sort3A_120 = tpu.sort %max3A_116, %max3A_116 masked %masked_sort3A_117 {descending = true} : (vector<16xf32>, vector<16xf32>, vector<16xi1>) -> (vector<16xi1>, vector<16xf32>, vector<16xf32>)
      %rev3A_121 = arith.constant 15 : i32
      %rev3A_122 = vector.broadcast %rev3A_121 : i32 to vector<16xi32>
      %rev3A_123 = tpu.iota {dimensions = array<i32: 0>} : vector<16xi32>
      %rev3A_124 = arith.subi %rev3A_122, %rev3A_123 : vector<16xi32>
      %rev3A_125 = tpu.dynamic_gather %masked_sort3A_83[%rev3A_124] in [0] : vector<16xf32>, vector<16xi32> -> vector<16xf32>
      %max3A_126 = arith.maximumf %rev3A_125, %masked_sort3A_87 : vector<16xf32>
      %masked_sort3A_127 = arith.constant dense<true> : vector<16xi1>
      %masked_sort3A_128, %masked_sort3A_129, %masked_sort3A_130 = tpu.sort %max3A_126, %max3A_126 masked %masked_sort3A_127 {descending = true} : (vector<16xf32>, vector<16xf32>, vector<16xi1>) -> (vector<16xi1>, vector<16xf32>, vector<16xf32>)
      %rev3A_131 = arith.constant 15 : i32
      %rev3A_132 = vector.broadcast %rev3A_131 : i32 to vector<16xi32>
      %rev3A_133 = tpu.iota {dimensions = array<i32: 0>} : vector<16xi32>
      %rev3A_134 = arith.subi %rev3A_132, %rev3A_133 : vector<16xi32>
      %rev3A_135 = tpu.dynamic_gather %masked_sort3A_99[%rev3A_134] in [0] : vector<16xf32>, vector<16xi32> -> vector<16xf32>
      %max3A_136 = arith.maximumf %rev3A_135, %masked_sort3A_109 : vector<16xf32>
      %masked_sort3A_137 = arith.constant dense<true> : vector<16xi1>
      %masked_sort3A_138, %masked_sort3A_139, %masked_sort3A_140 = tpu.sort %max3A_136, %max3A_136 masked %masked_sort3A_137 {descending = true} : (vector<16xf32>, vector<16xf32>, vector<16xi1>) -> (vector<16xi1>, vector<16xf32>, vector<16xf32>)
      %rev3A_141 = arith.constant 15 : i32
      %rev3A_142 = vector.broadcast %rev3A_141 : i32 to vector<16xi32>
      %rev3A_143 = tpu.iota {dimensions = array<i32: 0>} : vector<16xi32>
      %rev3A_144 = arith.subi %rev3A_142, %rev3A_143 : vector<16xi32>
      %rev3A_145 = tpu.dynamic_gather %masked_sort3A_119[%rev3A_144] in [0] : vector<16xf32>, vector<16xi32> -> vector<16xf32>
      %max3A_146 = arith.maximumf %rev3A_145, %masked_sort3A_129 : vector<16xf32>
      %masked_sort3A_147 = arith.constant dense<true> : vector<16xi1>
      %masked_sort3A_148, %masked_sort3A_149, %masked_sort3A_150 = tpu.sort %max3A_146, %max3A_146 masked %masked_sort3A_147 {descending = true} : (vector<16xf32>, vector<16xf32>, vector<16xi1>) -> (vector<16xi1>, vector<16xf32>, vector<16xf32>)
      %rev3A_151 = arith.constant 15 : i32
      %rev3A_152 = vector.broadcast %rev3A_151 : i32 to vector<16xi32>
      %rev3A_153 = tpu.iota {dimensions = array<i32: 0>} : vector<16xi32>
      %rev3A_154 = arith.subi %rev3A_152, %rev3A_153 : vector<16xi32>
      %rev3A_155 = tpu.dynamic_gather %masked_sort3A_139[%rev3A_154] in [0] : vector<16xf32>, vector<16xi32> -> vector<16xf32>
      %max3A_156 = arith.maximumf %rev3A_155, %masked_sort3A_149 : vector<16xf32>
      %masked_sort3A_157 = arith.constant dense<true> : vector<16xi1>
      %masked_sort3A_158, %masked_sort3A_159, %masked_sort3A_160 = tpu.sort %max3A_156, %max3A_156 masked %masked_sort3A_157 {descending = true} : (vector<16xf32>, vector<16xf32>, vector<16xi1>) -> (vector<16xi1>, vector<16xf32>, vector<16xf32>)
      %rev3A_161 = arith.constant 15 : i32
      %rev3A_162 = vector.broadcast %rev3A_161 : i32 to vector<16xi32>
      %rev3A_163 = tpu.iota {dimensions = array<i32: 0>} : vector<16xi32>
      %rev3A_164 = arith.subi %rev3A_162, %rev3A_163 : vector<16xi32>
      %rev3A_165 = tpu.dynamic_gather %masked_sort3A_159[%rev3A_164] in [0] : vector<16xf32>, vector<16xi32> -> vector<16xf32>
      %max3A_166 = arith.maximumf %rev3A_165, %masked_sort3A_91 : vector<16xf32>
      %masked_sort3A_167 = arith.constant dense<true> : vector<16xi1>
      %masked_sort3A_168, %masked_sort3A_169, %masked_sort3A_170 = tpu.sort %max3A_166, %max3A_166 masked %masked_sort3A_167 {descending = true} : (vector<16xf32>, vector<16xf32>, vector<16xi1>) -> (vector<16xi1>, vector<16xf32>, vector<16xf32>)
      %swap3A = arith.index_cast %scan3A_7 : i32 to index
      %swap3A_171 = arith.constant 0 : index
      %swap3A_172 = tpu.vector_load %arg5[%swap3A, %swap3A_171] {strides = array<i32>} : memref<128x16xf32, #tpu.memory_space<vmem>>, vector<16xf32>,
      tpu.vector_store %arg5[%swap3A, %swap3A_171], %masked_sort3A_169 {strides = array<i32>} : memref<128x16xf32, #tpu.memory_space<vmem>>, vector<16xf32>,
    }
    %scan3A_6 = arith.constant 128 : i32
    "tpu.region"() ({
      %run_scoped3A = tpu.sem_alloc : memref<!tpu.dma_semaphore, #tpu.memory_space<semaphore_mem>>
      %dma_start3A = arith.constant 0 : i32
      %dma_start3A_7 = arith.constant 0 : i32
      %dma_start3A_8 = tpu.memref_slice %arg3[%add3A, %dma_start3A, %dma_start3A_7] : memref<32x128x16xf32, #tpu.memory_space<hbm>> -> memref<1x128x16xf32, #tpu.memory_space<hbm>>
      %dma_start3A_9 = tpu.memref_squeeze %dma_start3A_8 : memref<1x128x16xf32, #tpu.memory_space<hbm>> -> memref<128x16xf32, #tpu.memory_space<hbm>>
      %dma_start3A_10 = arith.constant 0 : i32
      %dma_start3A_11 = arith.constant 0 : i32
      %dma_start3A_12 = tpu.memref_slice %arg3[%add3A, %dma_start3A_10, %dma_start3A_11] : memref<32x128x16xf32, #tpu.memory_space<hbm>> -> memref<1x128x16xf32, #tpu.memory_space<hbm>>
      %dma_start3A_13 = tpu.memref_squeeze %dma_start3A_12 : memref<1x128x16xf32, #tpu.memory_space<hbm>> -> memref<128x16xf32, #tpu.memory_space<hbm>>
      tpu.enqueue_dma source(%arg5 : memref<128x16xf32, #tpu.memory_space<vmem>>) target(%dma_start3A_13 : memref<128x16xf32, #tpu.memory_space<hbm>>) target_semaphore(%run_scoped3A : memref<!tpu.dma_semaphore, #tpu.memory_space<semaphore_mem>>)
      %dma_wait3A = arith.constant 0 : i32
      %dma_wait3A_14 = arith.constant 0 : i32
      %dma_wait3A_15 = tpu.memref_slice %arg3[%add3A, %dma_wait3A, %dma_wait3A_14] : memref<32x128x16xf32, #tpu.memory_space<hbm>> -> memref<1x128x16xf32, #tpu.memory_space<hbm>>
      %dma_wait3A_16 = tpu.memref_squeeze %dma_wait3A_15 : memref<1x128x16xf32, #tpu.memory_space<hbm>> -> memref<128x16xf32, #tpu.memory_space<hbm>>
      %dma_wait3A_17 = arith.constant 0 : i32
      %dma_wait3A_18 = arith.constant 0 : i32
      %dma_wait3A_19 = tpu.memref_slice %arg3[%add3A, %dma_wait3A_17, %dma_wait3A_18] : memref<32x128x16xf32, #tpu.memory_space<hbm>> -> memref<1x128x16xf32, #tpu.memory_space<hbm>>
      %dma_wait3A_20 = tpu.memref_squeeze %dma_wait3A_19 : memref<1x128x16xf32, #tpu.memory_space<hbm>> -> memref<128x16xf32, #tpu.memory_space<hbm>>
      tpu.wait_dma2 semaphore(%run_scoped3A : memref<!tpu.dma_semaphore, #tpu.memory_space<semaphore_mem>>) src(%arg5 : memref<128x16xf32, #tpu.memory_space<vmem>>) dst(%dma_wait3A_20 : memref<128x16xf32, #tpu.memory_space<hbm>>)
      tpu.yield
    }) : () -> ()
    return
  }
}

module attributes {stable_mosaic.version = 14 : i64} {
  func.func @_front_body(%arg0: i32, %arg1: i32, %arg2: memref<256x1024xf32, #tpu.memory_space<vmem>>, %arg3: memref<5x1024x1024xbf16, #tpu.memory_space<vmem>>, %arg4: memref<5x1x1024xf32, #tpu.memory_space<vmem>>, %arg5: memref<2x256x256xbf16, #tpu.memory_space<vmem>>, %arg6: memref<2x128x256xf32, #tpu.memory_space<vmem>>, %arg7: memref<2x2x1x128xf32, #tpu.memory_space<vmem>>, %arg8: memref<1x256x1024xbf16, #tpu.memory_space<vmem>>, %arg9: memref<1x256x1024xbf16, #tpu.memory_space<vmem>>, %arg10: memref<128x1024xf32, #tpu.memory_space<vmem>>, %arg11: memref<128x1024xf32, #tpu.memory_space<vmem>>) attributes {dimension_semantics = [#tpu.dimension_semantics<arbitrary>, #tpu.dimension_semantics<arbitrary>], iteration_bounds = array<i64: 2, 8>, scalar_prefetch = 0 : i64, scratch_operands = 2 : i64, tpu.core_type = #tpu.core_type<tc>, window_params = [{transform_indices = @transform_0, window_bounds = array<i64: 256, 1024>}, {pipeline_mode = #tpu.pipeline_mode<synchronous>, transform_indices = @transform_1, window_bounds = array<i64: 5, 1024, 1024>}, {pipeline_mode = #tpu.pipeline_mode<synchronous>, transform_indices = @transform_2, window_bounds = array<i64: 5, 1, 1024>}, {pipeline_mode = #tpu.pipeline_mode<synchronous>, transform_indices = @transform_3, window_bounds = array<i64: 2, 256, 256>}, {transform_indices = @transform_4, window_bounds = array<i64: 2, 128, 256>}, {transform_indices = @transform_5, window_bounds = array<i64: 2, 2, 1, 128>}, {transform_indices = @transform_6, window_bounds = array<i64: 1, 256, 1024>}, {transform_indices = @transform_7, window_bounds = array<i64: 1, 256, 1024>}]} {
    %mul3A = arith.constant 256 : i32
    %mul3A_0 = arith.muli %arg1, %mul3A : i32
    %get3A = arith.constant 0 : index
    %get3A_1 = arith.constant 0 : index
    %get3A_2 = vector.load %arg2[%get3A, %get3A_1] : memref<256x1024xf32, #tpu.memory_space<vmem>>, vector<256x1024xf32>
    %convert_element_type3A = arith.truncf %get3A_2 : vector<256x1024xf32> to vector<256x1024xbf16>
    %get3A_3 = arith.constant 0 : index
    %get3A_4 = arith.constant 0 : index
    %get3A_5 = arith.constant 0 : index
    %get3A_6 = vector.load %arg3[%get3A_3, %get3A_4, %get3A_5] : memref<5x1024x1024xbf16, #tpu.memory_space<vmem>>, vector<1x1024x1024xbf16>
    %get3A_7 = vector.shape_cast %get3A_6 : vector<1x1024x1024xbf16> to vector<1024x1024xbf16>
    %dot_general3A = arith.constant dense<0.000000e+00> : vector<256x1024xf32>
    %dot_general3A_8 = tpu.matmul %convert_element_type3A, %get3A_7, %dot_general3A {dimension_numbers = #tpu.dot_dimension_numbers<[1], [1], [0], [0], [0, 0, 1, 0], [], []>, transpose_lhs_hint = false} : vector<256x1024xbf16>, vector<1024x1024xbf16>, vector<256x1024xf32> -> vector<256x1024xf32>
    %get3A_9 = arith.constant 0 : index
    %get3A_10 = arith.constant 0 : index
    %get3A_11 = arith.constant 0 : index
    %get3A_12 = vector.load %arg4[%get3A_9, %get3A_10, %get3A_11] : memref<5x1x1024xf32, #tpu.memory_space<vmem>>, vector<1x1x1024xf32>
    %get3A_13 = vector.shape_cast %get3A_12 : vector<1x1x1024xf32> to vector<1x1024xf32>
    %add3A = vector.broadcast %get3A_13 : vector<1x1024xf32> to vector<256x1024xf32>
    %add3A_14 = arith.addf %dot_general3A_8, %add3A : vector<256x1024xf32>
    %get3A_15 = arith.constant 1 : index
    %get3A_16 = arith.constant 0 : index
    %get3A_17 = arith.constant 0 : index
    %get3A_18 = vector.load %arg3[%get3A_15, %get3A_16, %get3A_17] : memref<5x1024x1024xbf16, #tpu.memory_space<vmem>>, vector<1x1024x1024xbf16>
    %get3A_19 = vector.shape_cast %get3A_18 : vector<1x1024x1024xbf16> to vector<1024x1024xbf16>
    %dot_general3A_20 = arith.constant dense<0.000000e+00> : vector<256x1024xf32>
    %dot_general3A_21 = tpu.matmul %convert_element_type3A, %get3A_19, %dot_general3A_20 {dimension_numbers = #tpu.dot_dimension_numbers<[1], [1], [0], [0], [0, 0, 1, 0], [], []>, transpose_lhs_hint = false} : vector<256x1024xbf16>, vector<1024x1024xbf16>, vector<256x1024xf32> -> vector<256x1024xf32>
    %get3A_22 = arith.constant 1 : index
    %get3A_23 = arith.constant 0 : index
    %get3A_24 = arith.constant 0 : index
    %get3A_25 = vector.load %arg4[%get3A_22, %get3A_23, %get3A_24] : memref<5x1x1024xf32, #tpu.memory_space<vmem>>, vector<1x1x1024xf32>
    %get3A_26 = vector.shape_cast %get3A_25 : vector<1x1x1024xf32> to vector<1x1024xf32>
    %add3A_27 = vector.broadcast %get3A_26 : vector<1x1024xf32> to vector<256x1024xf32>
    %add3A_28 = arith.addf %dot_general3A_21, %add3A_27 : vector<256x1024xf32>
    %get3A_29 = arith.constant 2 : index
    %get3A_30 = arith.constant 0 : index
    %get3A_31 = arith.constant 0 : index
    %get3A_32 = vector.load %arg3[%get3A_29, %get3A_30, %get3A_31] : memref<5x1024x1024xbf16, #tpu.memory_space<vmem>>, vector<1x1024x1024xbf16>
    %get3A_33 = vector.shape_cast %get3A_32 : vector<1x1024x1024xbf16> to vector<1024x1024xbf16>
    %dot_general3A_34 = arith.constant dense<0.000000e+00> : vector<256x1024xf32>
    %dot_general3A_35 = tpu.matmul %convert_element_type3A, %get3A_33, %dot_general3A_34 {dimension_numbers = #tpu.dot_dimension_numbers<[1], [1], [0], [0], [0, 0, 1, 0], [], []>, transpose_lhs_hint = false} : vector<256x1024xbf16>, vector<1024x1024xbf16>, vector<256x1024xf32> -> vector<256x1024xf32>
    %get3A_36 = arith.constant 2 : index
    %get3A_37 = arith.constant 0 : index
    %get3A_38 = arith.constant 0 : index
    %get3A_39 = vector.load %arg4[%get3A_36, %get3A_37, %get3A_38] : memref<5x1x1024xf32, #tpu.memory_space<vmem>>, vector<1x1x1024xf32>
    %get3A_40 = vector.shape_cast %get3A_39 : vector<1x1x1024xf32> to vector<1x1024xf32>
    %add3A_41 = vector.broadcast %get3A_40 : vector<1x1024xf32> to vector<256x1024xf32>
    %add3A_42 = arith.addf %dot_general3A_35, %add3A_41 : vector<256x1024xf32>
    %convert_element_type3A_43 = arith.extf %convert_element_type3A : vector<256x1024xbf16> to vector<256x1024xf32>
    %sub3A = arith.subf %get3A_2, %convert_element_type3A_43 : vector<256x1024xf32>
    %convert_element_type3A_44 = arith.truncf %sub3A : vector<256x1024xf32> to vector<256x1024xbf16>
    %get3A_45 = arith.constant 0 : index
    %get3A_46 = arith.constant 0 : index
    %get3A_47 = arith.constant 0 : index
    %get3A_48 = vector.load %arg5[%get3A_45, %get3A_46, %get3A_47] : memref<2x256x256xbf16, #tpu.memory_space<vmem>>, vector<1x256x256xbf16>
    %get3A_49 = vector.shape_cast %get3A_48 : vector<1x256x256xbf16> to vector<256x256xbf16>
    %dot_general3A_50 = arith.constant dense<0.000000e+00> : vector<256x1024xf32>
    %dot_general3A_51 = tpu.matmul %get3A_49, %convert_element_type3A, %dot_general3A_50 {dimension_numbers = #tpu.dot_dimension_numbers<[1], [0], [0], [1], [0, 0, 1, 1], [], []>, transpose_lhs_hint = false} : vector<256x256xbf16>, vector<256x1024xbf16>, vector<256x1024xf32> -> vector<256x1024xf32>
    %get3A_52 = arith.constant 0 : index
    %get3A_53 = arith.constant 0 : index
    %get3A_54 = arith.constant 0 : index
    %get3A_55 = vector.load %arg5[%get3A_52, %get3A_53, %get3A_54] : memref<2x256x256xbf16, #tpu.memory_space<vmem>>, vector<1x256x256xbf16>
    %get3A_56 = vector.shape_cast %get3A_55 : vector<1x256x256xbf16> to vector<256x256xbf16>
    %dot_general3A_57 = arith.constant dense<0.000000e+00> : vector<256x1024xf32>
    %dot_general3A_58 = tpu.matmul %get3A_56, %convert_element_type3A_44, %dot_general3A_57 {dimension_numbers = #tpu.dot_dimension_numbers<[1], [0], [0], [1], [0, 0, 1, 1], [], []>, transpose_lhs_hint = false} : vector<256x256xbf16>, vector<256x1024xbf16>, vector<256x1024xf32> -> vector<256x1024xf32>
    %add3A_59 = arith.addf %dot_general3A_51, %dot_general3A_58 : vector<256x1024xf32>
    %get3A_60 = arith.constant 1 : index
    %get3A_61 = arith.constant 0 : index
    %get3A_62 = arith.constant 0 : index
    %get3A_63 = vector.load %arg5[%get3A_60, %get3A_61, %get3A_62] : memref<2x256x256xbf16, #tpu.memory_space<vmem>>, vector<1x256x256xbf16>
    %get3A_64 = vector.shape_cast %get3A_63 : vector<1x256x256xbf16> to vector<256x256xbf16>
    %dot_general3A_65 = arith.constant dense<0.000000e+00> : vector<256x1024xf32>
    %dot_general3A_66 = tpu.matmul %get3A_64, %convert_element_type3A, %dot_general3A_65 {dimension_numbers = #tpu.dot_dimension_numbers<[1], [0], [0], [1], [0, 0, 1, 1], [], []>, transpose_lhs_hint = false} : vector<256x256xbf16>, vector<256x1024xbf16>, vector<256x1024xf32> -> vector<256x1024xf32>
    %add3A_67 = arith.addf %add3A_59, %dot_general3A_66 : vector<256x1024xf32>
    %convert_element_type3A_68 = arith.truncf %add3A_67 : vector<256x1024xf32> to vector<256x1024xbf16>
    %get3A_69 = arith.constant 3 : index
    %get3A_70 = arith.constant 0 : index
    %get3A_71 = arith.constant 0 : index
    %get3A_72 = vector.load %arg3[%get3A_69, %get3A_70, %get3A_71] : memref<5x1024x1024xbf16, #tpu.memory_space<vmem>>, vector<1x1024x1024xbf16>
    %get3A_73 = vector.shape_cast %get3A_72 : vector<1x1024x1024xbf16> to vector<1024x1024xbf16>
    %dot_general3A_74 = arith.constant dense<0.000000e+00> : vector<256x1024xf32>
    %dot_general3A_75 = tpu.matmul %convert_element_type3A_68, %get3A_73, %dot_general3A_74 {dimension_numbers = #tpu.dot_dimension_numbers<[1], [1], [0], [0], [0, 0, 1, 0], [], []>, transpose_lhs_hint = false} : vector<256x1024xbf16>, vector<1024x1024xbf16>, vector<256x1024xf32> -> vector<256x1024xf32>
    %get3A_76 = arith.constant 3 : index
    %get3A_77 = arith.constant 0 : index
    %get3A_78 = arith.constant 0 : index
    %get3A_79 = vector.load %arg4[%get3A_76, %get3A_77, %get3A_78] : memref<5x1x1024xf32, #tpu.memory_space<vmem>>, vector<1x1x1024xf32>
    %get3A_80 = vector.shape_cast %get3A_79 : vector<1x1x1024xf32> to vector<1x1024xf32>
    %add3A_81 = vector.broadcast %get3A_80 : vector<1x1024xf32> to vector<256x1024xf32>
    %add3A_82 = arith.addf %dot_general3A_75, %add3A_81 : vector<256x1024xf32>
    %get3A_83 = arith.constant 4 : index
    %get3A_84 = arith.constant 0 : index
    %get3A_85 = arith.constant 0 : index
    %get3A_86 = vector.load %arg3[%get3A_83, %get3A_84, %get3A_85] : memref<5x1024x1024xbf16, #tpu.memory_space<vmem>>, vector<1x1024x1024xbf16>
    %get3A_87 = vector.shape_cast %get3A_86 : vector<1x1024x1024xbf16> to vector<1024x1024xbf16>
    %dot_general3A_88 = arith.constant dense<0.000000e+00> : vector<256x1024xf32>
    %dot_general3A_89 = tpu.matmul %convert_element_type3A_68, %get3A_87, %dot_general3A_88 {dimension_numbers = #tpu.dot_dimension_numbers<[1], [1], [0], [0], [0, 0, 1, 0], [], []>, transpose_lhs_hint = false} : vector<256x1024xbf16>, vector<1024x1024xbf16>, vector<256x1024xf32> -> vector<256x1024xf32>
    %get3A_90 = arith.constant 4 : index
    %get3A_91 = arith.constant 0 : index
    %get3A_92 = arith.constant 0 : index
    %get3A_93 = vector.load %arg4[%get3A_90, %get3A_91, %get3A_92] : memref<5x1x1024xf32, #tpu.memory_space<vmem>>, vector<1x1x1024xf32>
    %get3A_94 = vector.shape_cast %get3A_93 : vector<1x1x1024xf32> to vector<1x1024xf32>
    %add3A_95 = vector.broadcast %get3A_94 : vector<1x1024xf32> to vector<256x1024xf32>
    %add3A_96 = arith.addf %dot_general3A_89, %add3A_95 : vector<256x1024xf32>
    %get3A_97 = arith.constant 0 : index
    %get3A_98 = arith.constant 0 : index
    %get3A_99 = vector.load %arg10[%get3A_97, %get3A_98] : memref<128x1024xf32, #tpu.memory_space<vmem>>, vector<128x1024xf32>
    %concatenate3A = tpu.concatenate %get3A_99, %add3A_28 in 0 : vector<128x1024xf32>, vector<256x1024xf32> -> vector<384x1024xf32>
    %get3A_100 = arith.constant 0 : index
    %get3A_101 = arith.constant 0 : index
    %get3A_102 = vector.load %arg11[%get3A_100, %get3A_101] : memref<128x1024xf32, #tpu.memory_space<vmem>>, vector<128x1024xf32>
    %concatenate3A_103 = tpu.concatenate %get3A_102, %add3A_82 in 0 : vector<128x1024xf32>, vector<256x1024xf32> -> vector<384x1024xf32>
    %convert_element_type3A_104 = arith.truncf %add3A_14 : vector<256x1024xf32> to vector<256x1024xbf16>
    %convert_element_type3A_105 = arith.truncf %concatenate3A : vector<384x1024xf32> to vector<384x1024xbf16>
    %convert_element_type3A_106 = arith.truncf %add3A_42 : vector<256x1024xf32> to vector<256x1024xbf16>
    %swap3A = arith.constant 0 : index
    %swap3A_107 = arith.constant 0 : index
    %swap3A_108 = arith.constant 0 : index
    %swap3A_109 = vector.load %arg8[%swap3A, %swap3A_107, %swap3A_108] : memref<1x256x1024xbf16, #tpu.memory_space<vmem>>, vector<1x256x1024xbf16>
    %swap3A_110 = vector.shape_cast %swap3A_109 : vector<1x256x1024xbf16> to vector<256x1024xbf16>
    %swap3A_111 = vector.shape_cast %convert_element_type3A_106 : vector<256x1024xbf16> to vector<1x256x1024xbf16>
    tpu.vector_store %arg8[%swap3A, %swap3A_107, %swap3A_108], %swap3A_111 {strides = array<i32>} : memref<1x256x1024xbf16, #tpu.memory_space<vmem>>, vector<1x256x1024xbf16>,
    %convert_element_type3A_112 = arith.truncf %add3A_96 : vector<256x1024xf32> to vector<256x1024xbf16>
    %swap3A_113 = arith.constant 0 : index
    %swap3A_114 = arith.constant 0 : index
    %swap3A_115 = arith.constant 0 : index
    %swap3A_116 = vector.load %arg9[%swap3A_113, %swap3A_114, %swap3A_115] : memref<1x256x1024xbf16, #tpu.memory_space<vmem>>, vector<1x256x1024xbf16>
    %swap3A_117 = vector.shape_cast %swap3A_116 : vector<1x256x1024xbf16> to vector<256x1024xbf16>
    %swap3A_118 = vector.shape_cast %convert_element_type3A_112 : vector<256x1024xbf16> to vector<1x256x1024xbf16>
    tpu.vector_store %arg9[%swap3A_113, %swap3A_114, %swap3A_115], %swap3A_118 {strides = array<i32>} : memref<1x256x1024xbf16, #tpu.memory_space<vmem>>, vector<1x256x1024xbf16>,
    %slice3A = vector.extract_strided_slice %convert_element_type3A_104 {offsets = [0, 0], sizes = [128, 1024], strides = [1, 1]} : vector<256x1024xbf16> to vector<128x1024xbf16>
    %slice3A_119 = vector.extract_strided_slice %convert_element_type3A_105 {offsets = [0, 0], sizes = [256, 1024], strides = [1, 1]} : vector<384x1024xbf16> to vector<256x1024xbf16>
    %dot_general3A_120 = arith.constant dense<0.000000e+00> : vector<128x256xf32>
    %dot_general3A_121 = tpu.matmul %slice3A, %slice3A_119, %dot_general3A_120 {dimension_numbers = #tpu.dot_dimension_numbers<[1], [1], [0], [0], [0, 0, 1, 0], [], []>, transpose_lhs_hint = false} : vector<128x1024xbf16>, vector<256x1024xbf16>, vector<128x256xf32> -> vector<128x256xf32>
    %mul3A_122 = arith.constant 3.125000e-02 : f32
    %mul3A_123 = vector.broadcast %mul3A_122 : f32 to vector<128x256xf32>
    %mul3A_124 = arith.mulf %dot_general3A_121, %mul3A_123 : vector<128x256xf32>
    %iota3A = tpu.iota {dimensions = array<i32: 0>} : vector<128x256xi32>
    %iota3A_125 = tpu.iota {dimensions = array<i32: 1>} : vector<128x256xi32>
    %ge3A = arith.cmpi sge, %iota3A_125, %iota3A : vector<128x256xi32>
    %add3A_126 = arith.constant 128 : i32
    %add3A_127 = vector.broadcast %add3A_126 : i32 to vector<128x256xi32>
    %add3A_128 = arith.addi %iota3A, %add3A_127 : vector<128x256xi32>
    %lt3A = arith.cmpi slt, %iota3A_125, %add3A_128 : vector<128x256xi32>
    %and3A = arith.andi %ge3A, %lt3A : vector<128x256xi1>
    %add3A_129 = arith.constant 0 : i32
    %add3A_130 = vector.broadcast %add3A_129 : i32 to vector<128x256xi32>
    %add3A_131 = arith.addi %iota3A_125, %add3A_130 : vector<128x256xi32>
    %add3A_132 = vector.broadcast %mul3A_0 : i32 to vector<128x256xi32>
    %add3A_133 = arith.addi %add3A_131, %add3A_132 : vector<128x256xi32>
    %ge3A_134 = arith.constant 128 : i32
    %ge3A_135 = vector.broadcast %ge3A_134 : i32 to vector<128x256xi32>
    %ge3A_136 = arith.cmpi sge, %add3A_133, %ge3A_135 : vector<128x256xi32>
    %and3A_137 = arith.andi %and3A, %ge3A_136 : vector<128x256xi1>
    %jit3A = arith.constant -1.000000e+09 : f32
    %broadcast_in_dim3A = vector.broadcast %jit3A : f32 to vector<128x256xf32>
    %select_n3A = arith.select %and3A_137, %mul3A_124, %broadcast_in_dim3A : vector<128x256xi1>, vector<128x256xf32>
    %swap3A_138 = arith.constant 0 : index
    %swap3A_139 = arith.constant 0 : index
    %swap3A_140 = arith.constant 0 : index
    %swap3A_141 = vector.load %arg6[%swap3A_138, %swap3A_139, %swap3A_140] : memref<2x128x256xf32, #tpu.memory_space<vmem>>, vector<1x128x256xf32>
    %swap3A_142 = vector.shape_cast %swap3A_141 : vector<1x128x256xf32> to vector<128x256xf32>
    %swap3A_143 = vector.shape_cast %select_n3A : vector<128x256xf32> to vector<1x128x256xf32>
    tpu.vector_store %arg6[%swap3A_138, %swap3A_139, %swap3A_140], %swap3A_143 {strides = array<i32>} : memref<2x128x256xf32, #tpu.memory_space<vmem>>, vector<1x128x256xf32>,
    %slice3A_144 = vector.extract_strided_slice %concatenate3A {offsets = [127, 0], sizes = [128, 1024], strides = [1, 1]} : vector<384x1024xf32> to vector<128x1024xf32>
    %slice3A_145 = vector.extract_strided_slice %concatenate3A_103 {offsets = [127, 0], sizes = [128, 1024], strides = [1, 1]} : vector<384x1024xf32> to vector<128x1024xf32>
    %slice3A_146 = vector.extract_strided_slice %add3A_14 {offsets = [0, 0], sizes = [128, 1024], strides = [1, 1]} : vector<256x1024xf32> to vector<128x1024xf32>
    %mul3A_147 = arith.mulf %slice3A_146, %slice3A_144 : vector<128x1024xf32>
    %reduce_sum3A = arith.constant dense<0.000000e+00> : vector<128xf32>
    %reduce_sum3A_148 = vector.multi_reduction <add>, %mul3A_147, %reduce_sum3A [1] : vector<128x1024xf32> to vector<128xf32>
    %mul3A_149 = arith.constant 3.125000e-02 : f32
    %mul3A_150 = vector.broadcast %mul3A_149 : f32 to vector<128xf32>
    %mul3A_151 = arith.mulf %reduce_sum3A_148, %mul3A_150 : vector<128xf32>
    %slice3A_152 = vector.extract_strided_slice %add3A_14 {offsets = [0, 0], sizes = [128, 1024], strides = [1, 1]} : vector<256x1024xf32> to vector<128x1024xf32>
    %mul3A_153 = arith.mulf %slice3A_152, %slice3A_145 : vector<128x1024xf32>
    %reduce_sum3A_154 = arith.constant dense<0.000000e+00> : vector<128xf32>
    %reduce_sum3A_155 = vector.multi_reduction <add>, %mul3A_153, %reduce_sum3A_154 [1] : vector<128x1024xf32> to vector<128xf32>
    %mul3A_156 = arith.constant 3.125000e-02 : f32
    %mul3A_157 = vector.broadcast %mul3A_156 : f32 to vector<128xf32>
    %mul3A_158 = arith.mulf %reduce_sum3A_155, %mul3A_157 : vector<128xf32>
    %swap3A_159 = arith.constant 0 : index
    %swap3A_160 = arith.constant 0 : index
    %swap3A_161 = arith.constant 0 : index
    %swap3A_162 = arith.constant 0 : index
    %swap3A_163 = vector.load %arg7[%swap3A_159, %swap3A_160, %swap3A_161, %swap3A_162] : memref<2x2x1x128xf32, #tpu.memory_space<vmem>>, vector<1x1x1x128xf32>
    %swap3A_164 = vector.shape_cast %swap3A_163 : vector<1x1x1x128xf32> to vector<128xf32>
    %swap3A_165 = vector.shape_cast %mul3A_151 : vector<128xf32> to vector<1x1x1x128xf32>
    tpu.vector_store %arg7[%swap3A_159, %swap3A_160, %swap3A_161, %swap3A_162], %swap3A_165 {strides = array<i32>} : memref<2x2x1x128xf32, #tpu.memory_space<vmem>>, vector<1x1x1x128xf32>,
    %swap3A_166 = arith.constant 1 : index
    %swap3A_167 = arith.constant 0 : index
    %swap3A_168 = arith.constant 0 : index
    %swap3A_169 = arith.constant 0 : index
    %swap3A_170 = vector.load %arg7[%swap3A_166, %swap3A_167, %swap3A_168, %swap3A_169] : memref<2x2x1x128xf32, #tpu.memory_space<vmem>>, vector<1x1x1x128xf32>
    %swap3A_171 = vector.shape_cast %swap3A_170 : vector<1x1x1x128xf32> to vector<128xf32>
    %swap3A_172 = vector.shape_cast %mul3A_158 : vector<128xf32> to vector<1x1x1x128xf32>
    tpu.vector_store %arg7[%swap3A_166, %swap3A_167, %swap3A_168, %swap3A_169], %swap3A_172 {strides = array<i32>} : memref<2x2x1x128xf32, #tpu.memory_space<vmem>>, vector<1x1x1x128xf32>,
    %slice3A_173 = vector.extract_strided_slice %convert_element_type3A_104 {offsets = [128, 0], sizes = [128, 1024], strides = [1, 1]} : vector<256x1024xbf16> to vector<128x1024xbf16>
    %slice3A_174 = vector.extract_strided_slice %convert_element_type3A_105 {offsets = [128, 0], sizes = [256, 1024], strides = [1, 1]} : vector<384x1024xbf16> to vector<256x1024xbf16>
    %dot_general3A_175 = arith.constant dense<0.000000e+00> : vector<128x256xf32>
    %dot_general3A_176 = tpu.matmul %slice3A_173, %slice3A_174, %dot_general3A_175 {dimension_numbers = #tpu.dot_dimension_numbers<[1], [1], [0], [0], [0, 0, 1, 0], [], []>, transpose_lhs_hint = false} : vector<128x1024xbf16>, vector<256x1024xbf16>, vector<128x256xf32> -> vector<128x256xf32>
    %mul3A_177 = arith.constant 3.125000e-02 : f32
    %mul3A_178 = vector.broadcast %mul3A_177 : f32 to vector<128x256xf32>
    %mul3A_179 = arith.mulf %dot_general3A_176, %mul3A_178 : vector<128x256xf32>
    %iota3A_180 = tpu.iota {dimensions = array<i32: 0>} : vector<128x256xi32>
    %iota3A_181 = tpu.iota {dimensions = array<i32: 1>} : vector<128x256xi32>
    %ge3A_182 = arith.cmpi sge, %iota3A_181, %iota3A_180 : vector<128x256xi32>
    %add3A_183 = arith.constant 128 : i32
    %add3A_184 = vector.broadcast %add3A_183 : i32 to vector<128x256xi32>
    %add3A_185 = arith.addi %iota3A_180, %add3A_184 : vector<128x256xi32>
    %lt3A_186 = arith.cmpi slt, %iota3A_181, %add3A_185 : vector<128x256xi32>
    %and3A_187 = arith.andi %ge3A_182, %lt3A_186 : vector<128x256xi1>
    %add3A_188 = arith.constant 128 : i32
    %add3A_189 = vector.broadcast %add3A_188 : i32 to vector<128x256xi32>
    %add3A_190 = arith.addi %iota3A_181, %add3A_189 : vector<128x256xi32>
    %add3A_191 = vector.broadcast %mul3A_0 : i32 to vector<128x256xi32>
    %add3A_192 = arith.addi %add3A_190, %add3A_191 : vector<128x256xi32>
    %ge3A_193 = arith.constant 128 : i32
    %ge3A_194 = vector.broadcast %ge3A_193 : i32 to vector<128x256xi32>
    %ge3A_195 = arith.cmpi sge, %add3A_192, %ge3A_194 : vector<128x256xi32>
    %and3A_196 = arith.andi %and3A_187, %ge3A_195 : vector<128x256xi1>
    %jit3A_197 = arith.constant -1.000000e+09 : f32
    %broadcast_in_dim3A_198 = vector.broadcast %jit3A_197 : f32 to vector<128x256xf32>
    %select_n3A_199 = arith.select %and3A_196, %mul3A_179, %broadcast_in_dim3A_198 : vector<128x256xi1>, vector<128x256xf32>
    %swap3A_200 = arith.constant 1 : index
    %swap3A_201 = arith.constant 0 : index
    %swap3A_202 = arith.constant 0 : index
    %swap3A_203 = vector.load %arg6[%swap3A_200, %swap3A_201, %swap3A_202] : memref<2x128x256xf32, #tpu.memory_space<vmem>>, vector<1x128x256xf32>
    %swap3A_204 = vector.shape_cast %swap3A_203 : vector<1x128x256xf32> to vector<128x256xf32>
    %swap3A_205 = vector.shape_cast %select_n3A_199 : vector<128x256xf32> to vector<1x128x256xf32>
    tpu.vector_store %arg6[%swap3A_200, %swap3A_201, %swap3A_202], %swap3A_205 {strides = array<i32>} : memref<2x128x256xf32, #tpu.memory_space<vmem>>, vector<1x128x256xf32>,
    %slice3A_206 = vector.extract_strided_slice %concatenate3A {offsets = [255, 0], sizes = [128, 1024], strides = [1, 1]} : vector<384x1024xf32> to vector<128x1024xf32>
    %slice3A_207 = vector.extract_strided_slice %concatenate3A_103 {offsets = [255, 0], sizes = [128, 1024], strides = [1, 1]} : vector<384x1024xf32> to vector<128x1024xf32>
    %slice3A_208 = vector.extract_strided_slice %add3A_14 {offsets = [128, 0], sizes = [128, 1024], strides = [1, 1]} : vector<256x1024xf32> to vector<128x1024xf32>
    %mul3A_209 = arith.mulf %slice3A_208, %slice3A_206 : vector<128x1024xf32>
    %reduce_sum3A_210 = arith.constant dense<0.000000e+00> : vector<128xf32>
    %reduce_sum3A_211 = vector.multi_reduction <add>, %mul3A_209, %reduce_sum3A_210 [1] : vector<128x1024xf32> to vector<128xf32>
    %mul3A_212 = arith.constant 3.125000e-02 : f32
    %mul3A_213 = vector.broadcast %mul3A_212 : f32 to vector<128xf32>
    %mul3A_214 = arith.mulf %reduce_sum3A_211, %mul3A_213 : vector<128xf32>
    %slice3A_215 = vector.extract_strided_slice %add3A_14 {offsets = [128, 0], sizes = [128, 1024], strides = [1, 1]} : vector<256x1024xf32> to vector<128x1024xf32>
    %mul3A_216 = arith.mulf %slice3A_215, %slice3A_207 : vector<128x1024xf32>
    %reduce_sum3A_217 = arith.constant dense<0.000000e+00> : vector<128xf32>
    %reduce_sum3A_218 = vector.multi_reduction <add>, %mul3A_216, %reduce_sum3A_217 [1] : vector<128x1024xf32> to vector<128xf32>
    %mul3A_219 = arith.constant 3.125000e-02 : f32
    %mul3A_220 = vector.broadcast %mul3A_219 : f32 to vector<128xf32>
    %mul3A_221 = arith.mulf %reduce_sum3A_218, %mul3A_220 : vector<128xf32>
    %swap3A_222 = arith.constant 0 : index
    %swap3A_223 = arith.constant 1 : index
    %swap3A_224 = arith.constant 0 : index
    %swap3A_225 = arith.constant 0 : index
    %swap3A_226 = vector.load %arg7[%swap3A_222, %swap3A_223, %swap3A_224, %swap3A_225] : memref<2x2x1x128xf32, #tpu.memory_space<vmem>>, vector<1x1x1x128xf32>
    %swap3A_227 = vector.shape_cast %swap3A_226 : vector<1x1x1x128xf32> to vector<128xf32>
    %swap3A_228 = vector.shape_cast %mul3A_214 : vector<128xf32> to vector<1x1x1x128xf32>
    tpu.vector_store %arg7[%swap3A_222, %swap3A_223, %swap3A_224, %swap3A_225], %swap3A_228 {strides = array<i32>} : memref<2x2x1x128xf32, #tpu.memory_space<vmem>>, vector<1x1x1x128xf32>,
    %swap3A_229 = arith.constant 1 : index
    %swap3A_230 = arith.constant 1 : index
    %swap3A_231 = arith.constant 0 : index
    %swap3A_232 = arith.constant 0 : index
    %swap3A_233 = vector.load %arg7[%swap3A_229, %swap3A_230, %swap3A_231, %swap3A_232] : memref<2x2x1x128xf32, #tpu.memory_space<vmem>>, vector<1x1x1x128xf32>
    %swap3A_234 = vector.shape_cast %swap3A_233 : vector<1x1x1x128xf32> to vector<128xf32>
    %swap3A_235 = vector.shape_cast %mul3A_221 : vector<128xf32> to vector<1x1x1x128xf32>
    tpu.vector_store %arg7[%swap3A_229, %swap3A_230, %swap3A_231, %swap3A_232], %swap3A_235 {strides = array<i32>} : memref<2x2x1x128xf32, #tpu.memory_space<vmem>>, vector<1x1x1x128xf32>,
    %slice3A_236 = vector.extract_strided_slice %add3A_28 {offsets = [128, 0], sizes = [128, 1024], strides = [1, 1]} : vector<256x1024xf32> to vector<128x1024xf32>
    %swap3A_237 = arith.constant 0 : index
    %swap3A_238 = arith.constant 0 : index
    %swap3A_239 = vector.load %arg10[%swap3A_237, %swap3A_238] : memref<128x1024xf32, #tpu.memory_space<vmem>>, vector<128x1024xf32>
    tpu.vector_store %arg10[%swap3A_237, %swap3A_238], %slice3A_236 {strides = array<i32>} : memref<128x1024xf32, #tpu.memory_space<vmem>>, vector<128x1024xf32>,
    %slice3A_240 = vector.extract_strided_slice %add3A_82 {offsets = [128, 0], sizes = [128, 1024], strides = [1, 1]} : vector<256x1024xf32> to vector<128x1024xf32>
    %swap3A_241 = arith.constant 0 : index
    %swap3A_242 = arith.constant 0 : index
    %swap3A_243 = vector.load %arg11[%swap3A_241, %swap3A_242] : memref<128x1024xf32, #tpu.memory_space<vmem>>, vector<128x1024xf32>
    tpu.vector_store %arg11[%swap3A_241, %swap3A_242], %slice3A_240 {strides = array<i32>} : memref<128x1024xf32, #tpu.memory_space<vmem>>, vector<128x1024xf32>,
    return
  }
  func.func @transform_0(%arg0: i32, %arg1: i32) -> (i32, i32) {
    %mul3A = arith.constant 8 : i32
    %mul3A_0 = arith.muli %arg0, %mul3A : i32
    %add3A = arith.addi %mul3A_0, %arg1 : i32
    %c0_i32 = arith.constant 0 : i32
    %c0_i32_1 = arith.constant 0 : i32
    return %add3A, %c0_i32 : i32, i32
  }
  func.func @transform_1(%arg0: i32, %arg1: i32) -> (i32, i32, i32) {
    %c0_i32 = arith.constant 0 : i32
    %c0_i32_0 = arith.constant 0 : i32
    %c0_i32_1 = arith.constant 0 : i32
    %c0_i32_2 = arith.constant 0 : i32
    return %c0_i32, %c0_i32_0, %c0_i32_1 : i32, i32, i32
  }
  func.func @transform_2(%arg0: i32, %arg1: i32) -> (i32, i32, i32) {
    %c0_i32 = arith.constant 0 : i32
    %c0_i32_0 = arith.constant 0 : i32
    %c0_i32_1 = arith.constant 0 : i32
    %c0_i32_2 = arith.constant 0 : i32
    return %c0_i32, %c0_i32_0, %c0_i32_1 : i32, i32, i32
  }
  func.func @transform_3(%arg0: i32, %arg1: i32) -> (i32, i32, i32) {
    %c0_i32 = arith.constant 0 : i32
    %c0_i32_0 = arith.constant 0 : i32
    %c0_i32_1 = arith.constant 0 : i32
    %c0_i32_2 = arith.constant 0 : i32
    return %c0_i32, %c0_i32_0, %c0_i32_1 : i32, i32, i32
  }
  func.func @transform_4(%arg0: i32, %arg1: i32) -> (i32, i32, i32) {
    %mul3A = arith.constant 8 : i32
    %mul3A_0 = arith.muli %arg0, %mul3A : i32
    %add3A = arith.addi %mul3A_0, %arg1 : i32
    %c0_i32 = arith.constant 0 : i32
    %c0_i32_1 = arith.constant 0 : i32
    %c0_i32_2 = arith.constant 0 : i32
    return %add3A, %c0_i32, %c0_i32_1 : i32, i32, i32
  }
  func.func @transform_5(%arg0: i32, %arg1: i32) -> (i32, i32, i32, i32) {
    %mul3A = arith.constant 8 : i32
    %mul3A_0 = arith.muli %arg0, %mul3A : i32
    %add3A = arith.addi %mul3A_0, %arg1 : i32
    %c0_i32 = arith.constant 0 : i32
    %c0_i32_1 = arith.constant 0 : i32
    %c0_i32_2 = arith.constant 0 : i32
    %c0_i32_3 = arith.constant 0 : i32
    return %c0_i32, %add3A, %c0_i32_1, %c0_i32_2 : i32, i32, i32, i32
  }
  func.func @transform_6(%arg0: i32, %arg1: i32) -> (i32, i32, i32) {
    %mul3A = arith.constant 8 : i32
    %mul3A_0 = arith.muli %arg0, %mul3A : i32
    %add3A = arith.addi %mul3A_0, %arg1 : i32
    %c0_i32 = arith.constant 0 : i32
    %c0_i32_1 = arith.constant 0 : i32
    %c0_i32_2 = arith.constant 0 : i32
    return %add3A, %c0_i32, %c0_i32_1 : i32, i32, i32
  }
  func.func @transform_7(%arg0: i32, %arg1: i32) -> (i32, i32, i32) {
    %mul3A = arith.constant 8 : i32
    %mul3A_0 = arith.muli %arg0, %mul3A : i32
    %add3A = arith.addi %mul3A_0, %arg1 : i32
    %c0_i32 = arith.constant 0 : i32
    %c0_i32_1 = arith.constant 0 : i32
    %c0_i32_2 = arith.constant 0 : i32
    return %add3A, %c0_i32, %c0_i32_1 : i32, i32, i32
  }
}

module attributes {stable_mosaic.version = 14 : i64} {
  func.func @_back_body(%arg0: i32, %arg1: i32, %arg2: memref<2x128x256xf32, #tpu.memory_space<vmem>>, %arg3: memref<2x2x1x128xf32, #tpu.memory_space<vmem>>, %arg4: memref<2x128x16xf32, #tpu.memory_space<vmem>>, %arg5: memref<1x1x128x1024xbf16, #tpu.memory_space<vmem>>, %arg6: memref<1x1x128x1024xbf16, #tpu.memory_space<vmem>>, %arg7: memref<1x1x128x1024xbf16, #tpu.memory_space<vmem>>, %arg8: memref<1x1x128x1024xbf16, #tpu.memory_space<vmem>>, %arg9: memref<1x1x128x1024xbf16, #tpu.memory_space<vmem>>, %arg10: memref<1x1x128x1024xbf16, #tpu.memory_space<vmem>>, %arg11: memref<1x256x1024xf32, #tpu.memory_space<vmem>>) attributes {dimension_semantics = [#tpu.dimension_semantics<arbitrary>, #tpu.dimension_semantics<arbitrary>], iteration_bounds = array<i64: 2, 8>, scalar_prefetch = 0 : i64, scratch_operands = 0 : i64, tpu.core_type = #tpu.core_type<tc>, window_params = [{transform_indices = @transform_0, window_bounds = array<i64: 2, 128, 256>}, {transform_indices = @transform_1, window_bounds = array<i64: 2, 2, 1, 128>}, {transform_indices = @transform_2, window_bounds = array<i64: 2, 128, 16>}, {transform_indices = @transform_3, window_bounds = array<i64: 1, 1, 128, 1024>}, {transform_indices = @transform_4, window_bounds = array<i64: 1, 1, 128, 1024>}, {transform_indices = @transform_5, window_bounds = array<i64: 1, 1, 128, 1024>}, {transform_indices = @transform_6, window_bounds = array<i64: 1, 1, 128, 1024>}, {transform_indices = @transform_7, window_bounds = array<i64: 1, 1, 128, 1024>}, {transform_indices = @transform_8, window_bounds = array<i64: 1, 1, 128, 1024>}, {transform_indices = @transform_9, window_bounds = array<i64: 1, 256, 1024>}]} {
    %get3A = arith.constant 0 : index
    %get3A_0 = arith.constant 0 : index
    %get3A_1 = arith.constant 0 : index
    %get3A_2 = arith.constant 0 : index
    %get3A_3 = vector.load %arg5[%get3A, %get3A_0, %get3A_1, %get3A_2] : memref<1x1x128x1024xbf16, #tpu.memory_space<vmem>>, vector<1x1x128x1024xbf16>
    %get3A_4 = vector.shape_cast %get3A_3 : vector<1x1x128x1024xbf16> to vector<128x1024xbf16>
    %get3A_5 = arith.constant 0 : index
    %get3A_6 = arith.constant 0 : index
    %get3A_7 = arith.constant 0 : index
    %get3A_8 = arith.constant 0 : index
    %get3A_9 = vector.load %arg6[%get3A_5, %get3A_6, %get3A_7, %get3A_8] : memref<1x1x128x1024xbf16, #tpu.memory_space<vmem>>, vector<1x1x128x1024xbf16>
    %get3A_10 = vector.shape_cast %get3A_9 : vector<1x1x128x1024xbf16> to vector<128x1024xbf16>
    %get3A_11 = arith.constant 0 : index
    %get3A_12 = arith.constant 0 : index
    %get3A_13 = arith.constant 0 : index
    %get3A_14 = arith.constant 0 : index
    %get3A_15 = vector.load %arg7[%get3A_11, %get3A_12, %get3A_13, %get3A_14] : memref<1x1x128x1024xbf16, #tpu.memory_space<vmem>>, vector<1x1x128x1024xbf16>
    %get3A_16 = vector.shape_cast %get3A_15 : vector<1x1x128x1024xbf16> to vector<128x1024xbf16>
    %concatenate3A = tpu.concatenate %get3A_4, %get3A_10, %get3A_16 in 0 : vector<128x1024xbf16>, vector<128x1024xbf16>, vector<128x1024xbf16> -> vector<384x1024xbf16>
    %get3A_17 = arith.constant 0 : index
    %get3A_18 = arith.constant 0 : index
    %get3A_19 = arith.constant 0 : index
    %get3A_20 = arith.constant 0 : index
    %get3A_21 = vector.load %arg8[%get3A_17, %get3A_18, %get3A_19, %get3A_20] : memref<1x1x128x1024xbf16, #tpu.memory_space<vmem>>, vector<1x1x128x1024xbf16>
    %get3A_22 = vector.shape_cast %get3A_21 : vector<1x1x128x1024xbf16> to vector<128x1024xbf16>
    %get3A_23 = arith.constant 0 : index
    %get3A_24 = arith.constant 0 : index
    %get3A_25 = arith.constant 0 : index
    %get3A_26 = arith.constant 0 : index
    %get3A_27 = vector.load %arg9[%get3A_23, %get3A_24, %get3A_25, %get3A_26] : memref<1x1x128x1024xbf16, #tpu.memory_space<vmem>>, vector<1x1x128x1024xbf16>
    %get3A_28 = vector.shape_cast %get3A_27 : vector<1x1x128x1024xbf16> to vector<128x1024xbf16>
    %get3A_29 = arith.constant 0 : index
    %get3A_30 = arith.constant 0 : index
    %get3A_31 = arith.constant 0 : index
    %get3A_32 = arith.constant 0 : index
    %get3A_33 = vector.load %arg10[%get3A_29, %get3A_30, %get3A_31, %get3A_32] : memref<1x1x128x1024xbf16, #tpu.memory_space<vmem>>, vector<1x1x128x1024xbf16>
    %get3A_34 = vector.shape_cast %get3A_33 : vector<1x1x128x1024xbf16> to vector<128x1024xbf16>
    %concatenate3A_35 = tpu.concatenate %get3A_22, %get3A_28, %get3A_34 in 0 : vector<128x1024xbf16>, vector<128x1024xbf16>, vector<128x1024xbf16> -> vector<384x1024xbf16>
    %get3A_36 = arith.constant 0 : index
    %get3A_37 = arith.constant 0 : index
    %get3A_38 = arith.constant 0 : index
    %get3A_39 = vector.load %arg2[%get3A_36, %get3A_37, %get3A_38] : memref<2x128x256xf32, #tpu.memory_space<vmem>>, vector<1x128x256xf32>
    %get3A_40 = vector.shape_cast %get3A_39 : vector<1x128x256xf32> to vector<128x256xf32>
    %get3A_41 = arith.constant 0 : index
    %get3A_42 = arith.constant 0 : index
    %get3A_43 = arith.constant 0 : index
    %get3A_44 = arith.constant 0 : index
    %get3A_45 = vector.load %arg3[%get3A_41, %get3A_42, %get3A_43, %get3A_44] : memref<2x2x1x128xf32, #tpu.memory_space<vmem>>, vector<1x1x1x128xf32>
    %get3A_46 = vector.shape_cast %get3A_45 : vector<1x1x1x128xf32> to vector<128xf32>
    %get3A_47 = arith.constant 1 : index
    %get3A_48 = arith.constant 0 : index
    %get3A_49 = arith.constant 0 : index
    %get3A_50 = arith.constant 0 : index
    %get3A_51 = vector.load %arg3[%get3A_47, %get3A_48, %get3A_49, %get3A_50] : memref<2x2x1x128xf32, #tpu.memory_space<vmem>>, vector<1x1x1x128xf32>
    %get3A_52 = vector.shape_cast %get3A_51 : vector<1x1x1x128xf32> to vector<128xf32>
    %get3A_53 = arith.constant 0 : index
    %get3A_54 = arith.constant 0 : index
    %get3A_55 = arith.constant 7 : index
    %get3A_56 = vector.load %arg4[%get3A_53, %get3A_54, %get3A_55] : memref<2x128x16xf32, #tpu.memory_space<vmem>>, vector<1x128x1xf32>
    %get3A_57 = vector.shape_cast %get3A_56 : vector<1x128x1xf32> to vector<128xf32>
    %get3A_58 = arith.constant 0 : index
    %get3A_59 = arith.constant 0 : index
    %get3A_60 = arith.constant 0 : index
    %get3A_61 = vector.load %arg4[%get3A_58, %get3A_59, %get3A_60] : memref<2x128x16xf32, #tpu.memory_space<vmem>>, vector<1x128x1xf32>
    %get3A_62 = vector.shape_cast %get3A_61 : vector<1x128x1xf32> to vector<128xf32>
    %broadcast_in_dim3A = vector.shape_cast %get3A_57 : vector<128xf32> to vector<128x1xf32>
    %ge3A = vector.broadcast %broadcast_in_dim3A : vector<128x1xf32> to vector<128x256xf32>
    %ge3A_63 = arith.cmpf oge, %get3A_40, %ge3A : vector<128x256xf32>
    %max3A = arith.maximumf %get3A_46, %get3A_52 : vector<128xf32>
    %max3A_64 = arith.maximumf %max3A, %get3A_62 : vector<128xf32>
    %broadcast_in_dim3A_65 = vector.shape_cast %max3A_64 : vector<128xf32> to vector<128x1xf32>
    %sub3A = vector.broadcast %broadcast_in_dim3A_65 : vector<128x1xf32> to vector<128x256xf32>
    %sub3A_66 = arith.subf %get3A_40, %sub3A : vector<128x256xf32>
    %exp3A = math.exp %sub3A_66 : vector<128x256xf32>
    %jit3A = arith.constant 0.000000e+00 : f32
    %broadcast_in_dim3A_67 = vector.broadcast %jit3A : f32 to vector<128x256xf32>
    %select_n3A = arith.select %ge3A_63, %exp3A, %broadcast_in_dim3A_67 : vector<128x256xi1>, vector<128x256xf32>
    %sub3A_68 = arith.subf %get3A_46, %max3A_64 : vector<128xf32>
    %exp3A_69 = math.exp %sub3A_68 : vector<128xf32>
    %sub3A_70 = arith.subf %get3A_52, %max3A_64 : vector<128xf32>
    %exp3A_71 = math.exp %sub3A_70 : vector<128xf32>
    %add3A = arith.addf %exp3A_69, %exp3A_71 : vector<128xf32>
    %reduce_sum3A = arith.constant dense<0.000000e+00> : vector<128xf32>
    %reduce_sum3A_72 = vector.multi_reduction <add>, %select_n3A, %reduce_sum3A [1] : vector<128x256xf32> to vector<128xf32>
    %add3A_73 = arith.addf %add3A, %reduce_sum3A_72 : vector<128xf32>
    %slice3A = vector.extract_strided_slice %concatenate3A {offsets = [0, 0], sizes = [256, 1024], strides = [1, 1]} : vector<384x1024xbf16> to vector<256x1024xbf16>
    %slice3A_74 = vector.extract_strided_slice %concatenate3A_35 {offsets = [0, 0], sizes = [256, 1024], strides = [1, 1]} : vector<384x1024xbf16> to vector<256x1024xbf16>
    %convert_element_type3A = arith.truncf %select_n3A : vector<128x256xf32> to vector<128x256xbf16>
    %dot_general3A = arith.constant dense<0.000000e+00> : vector<128x1024xf32>
    %dot_general3A_75 = tpu.matmul %convert_element_type3A, %slice3A, %dot_general3A {dimension_numbers = #tpu.dot_dimension_numbers<[1], [0], [0], [1], [0, 0, 1, 1], [], []>, transpose_lhs_hint = false} : vector<128x256xbf16>, vector<256x1024xbf16>, vector<128x1024xf32> -> vector<128x1024xf32>
    %broadcast_in_dim3A_76 = vector.shape_cast %exp3A_69 : vector<128xf32> to vector<128x1xf32>
    %slice3A_77 = vector.extract_strided_slice %slice3A {offsets = [127, 0], sizes = [128, 1024], strides = [1, 1]} : vector<256x1024xbf16> to vector<128x1024xbf16>
    %convert_element_type3A_78 = arith.extf %slice3A_77 : vector<128x1024xbf16> to vector<128x1024xf32>
    %mul3A = vector.broadcast %broadcast_in_dim3A_76 : vector<128x1xf32> to vector<128x1024xf32>
    %mul3A_79 = arith.mulf %mul3A, %convert_element_type3A_78 : vector<128x1024xf32>
    %add3A_80 = arith.addf %dot_general3A_75, %mul3A_79 : vector<128x1024xf32>
    %broadcast_in_dim3A_81 = vector.shape_cast %exp3A_71 : vector<128xf32> to vector<128x1xf32>
    %slice3A_82 = vector.extract_strided_slice %slice3A_74 {offsets = [127, 0], sizes = [128, 1024], strides = [1, 1]} : vector<256x1024xbf16> to vector<128x1024xbf16>
    %convert_element_type3A_83 = arith.extf %slice3A_82 : vector<128x1024xbf16> to vector<128x1024xf32>
    %mul3A_84 = vector.broadcast %broadcast_in_dim3A_81 : vector<128x1xf32> to vector<128x1024xf32>
    %mul3A_85 = arith.mulf %mul3A_84, %convert_element_type3A_83 : vector<128x1024xf32>
    %add3A_86 = arith.addf %add3A_80, %mul3A_85 : vector<128x1024xf32>
    %broadcast_in_dim3A_87 = vector.shape_cast %add3A_73 : vector<128xf32> to vector<128x1xf32>
    %div3A = vector.broadcast %broadcast_in_dim3A_87 : vector<128x1xf32> to vector<128x1024xf32>
    %div3A_88 = arith.divf %add3A_86, %div3A : vector<128x1024xf32>
    %mul3A_89 = arith.constant 256 : i32
    %mul3A_90 = arith.muli %arg1, %mul3A_89 : i32
    %add3A_91 = arith.constant 0 : i32
    %add3A_92 = arith.addi %mul3A_90, %add3A_91 : i32
    %iota3A = tpu.iota {dimensions = array<i32: 0>} : vector<128x1xi32>
    %add3A_93 = vector.broadcast %add3A_92 : i32 to vector<128x1xi32>
    %add3A_94 = arith.addi %add3A_93, %iota3A : vector<128x1xi32>
    %gt3A = arith.constant 0 : i32
    %gt3A_95 = vector.broadcast %gt3A : i32 to vector<128x1xi32>
    %gt3A_96 = arith.cmpi sgt, %add3A_94, %gt3A_95 : vector<128x1xi32>
    %jit3A_97 = arith.constant 0.000000e+00 : f32
    %broadcast_in_dim3A_98 = vector.shape_cast %gt3A_96 : vector<128x1xi1> to vector<128x1xi1>
    %broadcast_in_dim3A_99 = vector.broadcast %broadcast_in_dim3A_98 : vector<128x1xi1> to vector<128x1024xi1>
    %broadcast_in_dim3A_100 = vector.broadcast %jit3A_97 : f32 to vector<128x1024xf32>
    %select_n3A_101 = arith.select %broadcast_in_dim3A_99, %div3A_88, %broadcast_in_dim3A_100 : vector<128x1024xi1>, vector<128x1024xf32>
    %swap3A = arith.constant 0 : index
    %swap3A_102 = arith.constant 0 : index
    %swap3A_103 = arith.constant 0 : index
    %swap3A_104 = vector.load %arg11[%swap3A, %swap3A_102, %swap3A_103] : memref<1x256x1024xf32, #tpu.memory_space<vmem>>, vector<1x128x1024xf32>
    %swap3A_105 = vector.shape_cast %swap3A_104 : vector<1x128x1024xf32> to vector<128x1024xf32>
    %swap3A_106 = vector.shape_cast %select_n3A_101 : vector<128x1024xf32> to vector<1x128x1024xf32>
    tpu.vector_store %arg11[%swap3A, %swap3A_102, %swap3A_103], %swap3A_106 {strides = array<i32>} : memref<1x256x1024xf32, #tpu.memory_space<vmem>>, vector<1x128x1024xf32>,
    %get3A_107 = arith.constant 1 : index
    %get3A_108 = arith.constant 0 : index
    %get3A_109 = arith.constant 0 : index
    %get3A_110 = vector.load %arg2[%get3A_107, %get3A_108, %get3A_109] : memref<2x128x256xf32, #tpu.memory_space<vmem>>, vector<1x128x256xf32>
    %get3A_111 = vector.shape_cast %get3A_110 : vector<1x128x256xf32> to vector<128x256xf32>
    %get3A_112 = arith.constant 0 : index
    %get3A_113 = arith.constant 1 : index
    %get3A_114 = arith.constant 0 : index
    %get3A_115 = arith.constant 0 : index
    %get3A_116 = vector.load %arg3[%get3A_112, %get3A_113, %get3A_114, %get3A_115] : memref<2x2x1x128xf32, #tpu.memory_space<vmem>>, vector<1x1x1x128xf32>
    %get3A_117 = vector.shape_cast %get3A_116 : vector<1x1x1x128xf32> to vector<128xf32>
    %get3A_118 = arith.constant 1 : index
    %get3A_119 = arith.constant 1 : index
    %get3A_120 = arith.constant 0 : index
    %get3A_121 = arith.constant 0 : index
    %get3A_122 = vector.load %arg3[%get3A_118, %get3A_119, %get3A_120, %get3A_121] : memref<2x2x1x128xf32, #tpu.memory_space<vmem>>, vector<1x1x1x128xf32>
    %get3A_123 = vector.shape_cast %get3A_122 : vector<1x1x1x128xf32> to vector<128xf32>
    %get3A_124 = arith.constant 1 : index
    %get3A_125 = arith.constant 0 : index
    %get3A_126 = arith.constant 7 : index
    %get3A_127 = vector.load %arg4[%get3A_124, %get3A_125, %get3A_126] : memref<2x128x16xf32, #tpu.memory_space<vmem>>, vector<1x128x1xf32>
    %get3A_128 = vector.shape_cast %get3A_127 : vector<1x128x1xf32> to vector<128xf32>
    %get3A_129 = arith.constant 1 : index
    %get3A_130 = arith.constant 0 : index
    %get3A_131 = arith.constant 0 : index
    %get3A_132 = vector.load %arg4[%get3A_129, %get3A_130, %get3A_131] : memref<2x128x16xf32, #tpu.memory_space<vmem>>, vector<1x128x1xf32>
    %get3A_133 = vector.shape_cast %get3A_132 : vector<1x128x1xf32> to vector<128xf32>
    %broadcast_in_dim3A_134 = vector.shape_cast %get3A_128 : vector<128xf32> to vector<128x1xf32>
    %ge3A_135 = vector.broadcast %broadcast_in_dim3A_134 : vector<128x1xf32> to vector<128x256xf32>
    %ge3A_136 = arith.cmpf oge, %get3A_111, %ge3A_135 : vector<128x256xf32>
    %max3A_137 = arith.maximumf %get3A_117, %get3A_123 : vector<128xf32>
    %max3A_138 = arith.maximumf %max3A_137, %get3A_133 : vector<128xf32>
    %broadcast_in_dim3A_139 = vector.shape_cast %max3A_138 : vector<128xf32> to vector<128x1xf32>
    %sub3A_140 = vector.broadcast %broadcast_in_dim3A_139 : vector<128x1xf32> to vector<128x256xf32>
    %sub3A_141 = arith.subf %get3A_111, %sub3A_140 : vector<128x256xf32>
    %exp3A_142 = math.exp %sub3A_141 : vector<128x256xf32>
    %jit3A_143 = arith.constant 0.000000e+00 : f32
    %broadcast_in_dim3A_144 = vector.broadcast %jit3A_143 : f32 to vector<128x256xf32>
    %select_n3A_145 = arith.select %ge3A_136, %exp3A_142, %broadcast_in_dim3A_144 : vector<128x256xi1>, vector<128x256xf32>
    %sub3A_146 = arith.subf %get3A_117, %max3A_138 : vector<128xf32>
    %exp3A_147 = math.exp %sub3A_146 : vector<128xf32>
    %sub3A_148 = arith.subf %get3A_123, %max3A_138 : vector<128xf32>
    %exp3A_149 = math.exp %sub3A_148 : vector<128xf32>
    %add3A_150 = arith.addf %exp3A_147, %exp3A_149 : vector<128xf32>
    %reduce_sum3A_151 = arith.constant dense<0.000000e+00> : vector<128xf32>
    %reduce_sum3A_152 = vector.multi_reduction <add>, %select_n3A_145, %reduce_sum3A_151 [1] : vector<128x256xf32> to vector<128xf32>
    %add3A_153 = arith.addf %add3A_150, %reduce_sum3A_152 : vector<128xf32>
    %slice3A_154 = vector.extract_strided_slice %concatenate3A {offsets = [128, 0], sizes = [256, 1024], strides = [1, 1]} : vector<384x1024xbf16> to vector<256x1024xbf16>
    %slice3A_155 = vector.extract_strided_slice %concatenate3A_35 {offsets = [128, 0], sizes = [256, 1024], strides = [1, 1]} : vector<384x1024xbf16> to vector<256x1024xbf16>
    %convert_element_type3A_156 = arith.truncf %select_n3A_145 : vector<128x256xf32> to vector<128x256xbf16>
    %dot_general3A_157 = arith.constant dense<0.000000e+00> : vector<128x1024xf32>
    %dot_general3A_158 = tpu.matmul %convert_element_type3A_156, %slice3A_154, %dot_general3A_157 {dimension_numbers = #tpu.dot_dimension_numbers<[1], [0], [0], [1], [0, 0, 1, 1], [], []>, transpose_lhs_hint = false} : vector<128x256xbf16>, vector<256x1024xbf16>, vector<128x1024xf32> -> vector<128x1024xf32>
    %broadcast_in_dim3A_159 = vector.shape_cast %exp3A_147 : vector<128xf32> to vector<128x1xf32>
    %slice3A_160 = vector.extract_strided_slice %slice3A_154 {offsets = [127, 0], sizes = [128, 1024], strides = [1, 1]} : vector<256x1024xbf16> to vector<128x1024xbf16>
    %convert_element_type3A_161 = arith.extf %slice3A_160 : vector<128x1024xbf16> to vector<128x1024xf32>
    %mul3A_162 = vector.broadcast %broadcast_in_dim3A_159 : vector<128x1xf32> to vector<128x1024xf32>
    %mul3A_163 = arith.mulf %mul3A_162, %convert_element_type3A_161 : vector<128x1024xf32>
    %add3A_164 = arith.addf %dot_general3A_158, %mul3A_163 : vector<128x1024xf32>
    %broadcast_in_dim3A_165 = vector.shape_cast %exp3A_149 : vector<128xf32> to vector<128x1xf32>
    %slice3A_166 = vector.extract_strided_slice %slice3A_155 {offsets = [127, 0], sizes = [128, 1024], strides = [1, 1]} : vector<256x1024xbf16> to vector<128x1024xbf16>
    %convert_element_type3A_167 = arith.extf %slice3A_166 : vector<128x1024xbf16> to vector<128x1024xf32>
    %mul3A_168 = vector.broadcast %broadcast_in_dim3A_165 : vector<128x1xf32> to vector<128x1024xf32>
    %mul3A_169 = arith.mulf %mul3A_168, %convert_element_type3A_167 : vector<128x1024xf32>
    %add3A_170 = arith.addf %add3A_164, %mul3A_169 : vector<128x1024xf32>
    %broadcast_in_dim3A_171 = vector.shape_cast %add3A_153 : vector<128xf32> to vector<128x1xf32>
    %div3A_172 = vector.broadcast %broadcast_in_dim3A_171 : vector<128x1xf32> to vector<128x1024xf32>
    %div3A_173 = arith.divf %add3A_170, %div3A_172 : vector<128x1024xf32>
    %mul3A_174 = arith.constant 256 : i32
    %mul3A_175 = arith.muli %arg1, %mul3A_174 : i32
    %add3A_176 = arith.constant 128 : i32
    %add3A_177 = arith.addi %mul3A_175, %add3A_176 : i32
    %iota3A_178 = tpu.iota {dimensions = array<i32: 0>} : vector<128x1xi32>
    %add3A_179 = vector.broadcast %add3A_177 : i32 to vector<128x1xi32>
    %add3A_180 = arith.addi %add3A_179, %iota3A_178 : vector<128x1xi32>
    %gt3A_181 = arith.constant 0 : i32
    %gt3A_182 = vector.broadcast %gt3A_181 : i32 to vector<128x1xi32>
    %gt3A_183 = arith.cmpi sgt, %add3A_180, %gt3A_182 : vector<128x1xi32>
    %jit3A_184 = arith.constant 0.000000e+00 : f32
    %broadcast_in_dim3A_185 = vector.shape_cast %gt3A_183 : vector<128x1xi1> to vector<128x1xi1>
    %broadcast_in_dim3A_186 = vector.broadcast %broadcast_in_dim3A_185 : vector<128x1xi1> to vector<128x1024xi1>
    %broadcast_in_dim3A_187 = vector.broadcast %jit3A_184 : f32 to vector<128x1024xf32>
    %select_n3A_188 = arith.select %broadcast_in_dim3A_186, %div3A_173, %broadcast_in_dim3A_187 : vector<128x1024xi1>, vector<128x1024xf32>
    %swap3A_189 = arith.constant 0 : index
    %swap3A_190 = arith.constant 128 : index
    %swap3A_191 = arith.constant 0 : index
    %swap3A_192 = vector.load %arg11[%swap3A_189, %swap3A_190, %swap3A_191] : memref<1x256x1024xf32, #tpu.memory_space<vmem>>, vector<1x128x1024xf32>
    %swap3A_193 = vector.shape_cast %swap3A_192 : vector<1x128x1024xf32> to vector<128x1024xf32>
    %swap3A_194 = vector.shape_cast %select_n3A_188 : vector<128x1024xf32> to vector<1x128x1024xf32>
    tpu.vector_store %arg11[%swap3A_189, %swap3A_190, %swap3A_191], %swap3A_194 {strides = array<i32>} : memref<1x256x1024xf32, #tpu.memory_space<vmem>>, vector<1x128x1024xf32>,
    return
  }
  func.func @transform_0(%arg0: i32, %arg1: i32) -> (i32, i32, i32) {
    %mul3A = arith.constant 8 : i32
    %mul3A_0 = arith.muli %arg0, %mul3A : i32
    %add3A = arith.addi %mul3A_0, %arg1 : i32
    %c0_i32 = arith.constant 0 : i32
    %c0_i32_1 = arith.constant 0 : i32
    %c0_i32_2 = arith.constant 0 : i32
    return %add3A, %c0_i32, %c0_i32_1 : i32, i32, i32
  }
  func.func @transform_1(%arg0: i32, %arg1: i32) -> (i32, i32, i32, i32) {
    %mul3A = arith.constant 8 : i32
    %mul3A_0 = arith.muli %arg0, %mul3A : i32
    %add3A = arith.addi %mul3A_0, %arg1 : i32
    %c0_i32 = arith.constant 0 : i32
    %c0_i32_1 = arith.constant 0 : i32
    %c0_i32_2 = arith.constant 0 : i32
    %c0_i32_3 = arith.constant 0 : i32
    return %c0_i32, %add3A, %c0_i32_1, %c0_i32_2 : i32, i32, i32, i32
  }
  func.func @transform_2(%arg0: i32, %arg1: i32) -> (i32, i32, i32) {
    %mul3A = arith.constant 8 : i32
    %mul3A_0 = arith.muli %arg0, %mul3A : i32
    %add3A = arith.addi %mul3A_0, %arg1 : i32
    %c0_i32 = arith.constant 0 : i32
    %c0_i32_1 = arith.constant 0 : i32
    %c0_i32_2 = arith.constant 0 : i32
    return %add3A, %c0_i32, %c0_i32_1 : i32, i32, i32
  }
  func.func @transform_3(%arg0: i32, %arg1: i32) -> (i32, i32, i32, i32) {
    %mul3A = arith.constant 2 : i32
    %mul3A_0 = arith.muli %mul3A, %arg1 : i32
    %sub3A = arith.constant 1 : i32
    %sub3A_1 = arith.subi %mul3A_0, %sub3A : i32
    %max3A = arith.constant 0 : i32
    %max3A_2 = arith.maxsi %sub3A_1, %max3A : i32
    %c0_i32 = arith.constant 0 : i32
    %c0_i32_3 = arith.constant 0 : i32
    %c0_i32_4 = arith.constant 0 : i32
    return %arg0, %max3A_2, %c0_i32, %c0_i32_3 : i32, i32, i32, i32
  }
  func.func @transform_4(%arg0: i32, %arg1: i32) -> (i32, i32, i32, i32) {
    %mul3A = arith.constant 2 : i32
    %mul3A_0 = arith.muli %mul3A, %arg1 : i32
    %add3A = arith.constant 0 : i32
    %add3A_1 = arith.addi %mul3A_0, %add3A : i32
    %c0_i32 = arith.constant 0 : i32
    %c0_i32_2 = arith.constant 0 : i32
    %c0_i32_3 = arith.constant 0 : i32
    return %arg0, %add3A_1, %c0_i32, %c0_i32_2 : i32, i32, i32, i32
  }
  func.func @transform_5(%arg0: i32, %arg1: i32) -> (i32, i32, i32, i32) {
    %mul3A = arith.constant 2 : i32
    %mul3A_0 = arith.muli %mul3A, %arg1 : i32
    %add3A = arith.constant 1 : i32
    %add3A_1 = arith.addi %mul3A_0, %add3A : i32
    %c0_i32 = arith.constant 0 : i32
    %c0_i32_2 = arith.constant 0 : i32
    %c0_i32_3 = arith.constant 0 : i32
    return %arg0, %add3A_1, %c0_i32, %c0_i32_2 : i32, i32, i32, i32
  }
  func.func @transform_6(%arg0: i32, %arg1: i32) -> (i32, i32, i32, i32) {
    %mul3A = arith.constant 2 : i32
    %mul3A_0 = arith.muli %mul3A, %arg1 : i32
    %sub3A = arith.constant 1 : i32
    %sub3A_1 = arith.subi %mul3A_0, %sub3A : i32
    %max3A = arith.constant 0 : i32
    %max3A_2 = arith.maxsi %sub3A_1, %max3A : i32
    %c0_i32 = arith.constant 0 : i32
    %c0_i32_3 = arith.constant 0 : i32
    %c0_i32_4 = arith.constant 0 : i32
    return %arg0, %max3A_2, %c0_i32, %c0_i32_3 : i32, i32, i32, i32
  }
  func.func @transform_7(%arg0: i32, %arg1: i32) -> (i32, i32, i32, i32) {
    %mul3A = arith.constant 2 : i32
    %mul3A_0 = arith.muli %mul3A, %arg1 : i32
    %add3A = arith.constant 0 : i32
    %add3A_1 = arith.addi %mul3A_0, %add3A : i32
    %c0_i32 = arith.constant 0 : i32
    %c0_i32_2 = arith.constant 0 : i32
    %c0_i32_3 = arith.constant 0 : i32
    return %arg0, %add3A_1, %c0_i32, %c0_i32_2 : i32, i32, i32, i32
  }
  func.func @transform_8(%arg0: i32, %arg1: i32) -> (i32, i32, i32, i32) {
    %mul3A = arith.constant 2 : i32
    %mul3A_0 = arith.muli %mul3A, %arg1 : i32
    %add3A = arith.constant 1 : i32
    %add3A_1 = arith.addi %mul3A_0, %add3A : i32
    %c0_i32 = arith.constant 0 : i32
    %c0_i32_2 = arith.constant 0 : i32
    %c0_i32_3 = arith.constant 0 : i32
    return %arg0, %add3A_1, %c0_i32, %c0_i32_2 : i32, i32, i32, i32
  }
  func.func @transform_9(%arg0: i32, %arg1: i32) -> (i32, i32, i32) {
    %c0_i32 = arith.constant 0 : i32
    %c0_i32_0 = arith.constant 0 : i32
    return %arg0, %arg1, %c0_i32 : i32, i32, i32
  }
}

</mosaic_0001>

<sc_bundles>
// kernel: kernel.5.cloned.1.call-start
scs
__scs_entry_jumppad:
0x0: {  	(pc) =	sbr.rel $0x88, $3  }
0x1: {  	(tag) =	ssettag $0x0;
	lr =	simm.s32 $0x1  }
0x2: {  	[smem:$0x3F96] =	sst lr;
	_ =	strace $0xD0000000  }
0x3: {  	_ = 	snop  }
0x4: {  	_ = 	snop  }
0x5: {  	_ = 	snop  }
0x6: {  	_ = 	snop  }
0x7: {  	_ = 	snop  }
__scs_overlays_trampoline_lowered:
0x8: {  	[smem:$0x3FA5] =	sst s0  }
0x9: {  	[smem:$0x3FA6] =	sst s1  }
0xa: {  	[smem:$0x3FA7] =	sst s2  }
0xb: {  	[smem:$0x3FA8] =	sst s3  }
0xc: {  	[smem:$0x3FA9] =	sst s4  }
0xd: {  	[smem:$0x3FAA] =	sst s5  }
0xe: {  	[smem:$0x3FAB] =	sst s6  }
0xf: {  	[smem:$0x3FAC] =	sst s7  }
0x10: {  	[smem:$0x3FAD] =	sst s8  }
0x11: {  	[smem:$0x3FAE] =	sst s9;
	s0 =	simm.s32 @!p0 $0x0  }
0x12: {  	s1 =	sld [smem:$0x3F94];
	s0 =	simm.s32 @p0 $0x1  }
0x13: {  	[smem:$0x3FAF] =	sst s0;
	s0 =	simm.s32 @!p1 $0x0  }
0x14: {  	s2 =	sld [smem:$0x3F93];
	s0 =	simm.s32 @p1 $0x1  }
0x15: {  	[smem:$0x3FB0] =	sst s0;
	s0 =	simm.s32 @!p2 $0x0  }
0x16: {  	s3 =	sld [smem:$0x3FDB];
	s0 =	simm.s32 @p2 $0x1  }
0x17: {  	s4 =	simm.s32 $0x1BF5;
	[smem:$0x3FB2] =	sst s0  }
0x18: {  	s0 =	sld [smem:$0x3F95];
	_ =	swait.ge [sflag:s4], $0x0  }
0x19: {  	s7 =	sld [smem:$0x3F96]  }
0x1a: {  	s8 =	sadd.s32 $0xFFFFE003, lr  }
0x1b: {  	s9 =	sadd.s32 $0xFFFFFEF7, lr;
	s5 =	simm.s32 $0xFFFFFFFF;
	p2 =	slt.u32 s8, $0xFFFFF086  }
0x1c: {  	p1 =	slt.u32 s9, $0xF7A;
	s5 =	simm.s32 @!p2 $0x0  }
0x1d: {  	s5 =	simm.s32 @p1 $0x1;
	p0 =	seq.s32 s7, s2  }
0x1e: {  	s7 =	smul.u32 @!p0 $0xF7A, s2;
	p2 =	seq.s32 @!p0 s5, $0x0  }
0x1f: {  	s9 =	smul.u32 $0xF7A, s1;
	s8 =	simm.s32 @!p0 $0x1BF5;
	p2 =	por !p2, p0  }
0x20: {  	[sflag:s8] =	ssyncset.s32 @!p0 $0xFFFFF086;
	s6 =	sadd.s32 @!p0 s3, s7;
	s7 =	simm.s32 @!p0 $0x108  }
0x21: {  	s3 =	sadd.s32 s3, s9;
	s6 =	sadd.s32 @!p0 $0x88, s6;
	s7 =	simm.s32 @p2 $0x1082  }
0x22: {  	[simem:s7], [sflag:s8] =	dma.local @!p0 [hbm:s6], $0xF7A  }
0x23: {  	s9 =	sor.u32 $0xD0000000, s2;
	s6 =	simm.s32 $0x108;
	_ =	swait.ge @!p0 [sflag:s8], $0x0  }
0x24: {  	s3 =	sadd.s32 $0x88, s3;
	s6 =	simm.s32 @!p1 $0x1082;
	[sflag:s4] =	ssyncset.s32 $0xFFFFF086  }
0x25: {  	[simem:s6], [sflag:s4] =	dma.local [hbm:s3], $0xF7A  }
0x26: {  	[smem:$0x3F96] =	sst s1;
	(tag) =	ssettag s2;
	_ =	strace s9  }
0x27: {  	s1 =	sld [smem:$0x3FA6]  }
0x28: {  	s2 =	sld [smem:$0x3FA7]  }
0x29: {  	s4 =	sld [smem:$0x3FA9]  }
0x2a: {  	p0 =	seq.s32 s5, $0x0;
	s5 =	sld [smem:$0x3FAA]  }
0x2b: {  	s6 =	sld [smem:$0x3FAB]  }
0x2c: {  	s7 =	sld [smem:$0x3FAC]  }
0x2d: {  	s3 =	simm.s32 $0x108;
	s8 =	sld [smem:$0x3FAD]  }
0x2e: {  	s3 =	simm.s32 @!p0 $0x1082;
	s9 =	sld [smem:$0x3FAE]  }
0x2f: {  	lr =	sadd.s32 s0, s3;
	s0 =	sld [smem:$0x3FA5]  }
0x30: {  	s3 =	sld [smem:$0x3FA8]  }
0x31: {  	[smem:$0x3FB1] =	sst s10  }
0x32: {  	s10 =	sld [smem:$0x3FAF];
	_ =	sdelay $0x3  }
0x33: {  	p0 =	seq.s32 s10, $0x1;
	s10 =	sld [smem:$0x3FB1];
	_ =	sdelay $0x3  }
0x34: {  	[smem:$0x3FB1] =	sst s10  }
0x35: {  	s10 =	sld [smem:$0x3FB0];
	_ =	sdelay $0x3  }
0x36: {  	p1 =	seq.s32 s10, $0x1;
	s10 =	sld [smem:$0x3FB1];
	_ =	sdelay $0x3  }
0x37: {  	[smem:$0x3FB1] =	sst s10  }
0x38: {  	s10 =	sld [smem:$0x3FB2]  }
0x39: {  	_ = 	snop;
	(pc) =	sbr.ind lr, $3  }
0x3a: {  	_ = 	snop  }
0x3b: {  	_ = 	snop  }
0x3c: {  	p2 =	seq.s32 s10, $0x1;
	s10 =	sld [smem:$0x3FB1]  }
0x3d: {  	_ =	shalt  }
0x3e: {  	_ =	shalt  }
0x3f: {  	_ =	shalt  }
0x40: {  	_ =	shalt  }
0x41: {  	_ =	shalt  }
0x42: {  	_ =	shalt  }
0x43: {  	_ =	shalt  }
0x44: {  	_ =	shalt  }
0x45: {  	_ =	shalt  }
0x46: {  	_ =	shalt  }
0x47: {  	_ =	shalt  }
0x48: {  	_ =	shalt  }
0x49: {  	_ =	shalt  }
0x4a: {  	_ =	shalt  }
0x4b: {  	_ =	shalt  }
0x4c: {  	_ =	shalt  }
0x4d: {  	_ =	shalt  }
0x4e: {  	_ =	shalt  }
0x4f: {  	_ =	shalt  }
0x50: {  	_ =	shalt  }
0x51: {  	_ =	shalt  }
0x52: {  	_ =	shalt  }
0x53: {  	_ =	shalt  }
0x54: {  	_ =	shalt  }
0x55: {  	_ =	shalt  }
0x56: {  	_ =	shalt  }
0x57: {  	_ =	shalt  }
0x58: {  	_ =	shalt  }
0x59: {  	_ =	shalt  }
0x5a: {  	_ =	shalt  }
0x5b: {  	_ =	shalt  }
0x5c: {  	_ =	shalt  }
0x5d: {  	_ =	shalt  }
0x5e: {  	_ =	shalt  }
0x5f: {  	_ =	shalt  }
0x60: {  	_ =	shalt  }
0x61: {  	_ =	shalt  }
0x62: {  	_ =	shalt  }
0x63: {  	_ =	shalt  }
0x64: {  	_ =	shalt  }
0x65: {  	_ =	shalt  }
0x66: {  	_ =	shalt  }
0x67: {  	_ =	shalt  }
0x68: {  	_ =	shalt  }
0x69: {  	_ =	shalt  }
0x6a: {  	_ =	shalt  }
0x6b: {  	_ =	shalt  }
0x6c: {  	_ =	shalt  }
0x6d: {  	_ =	shalt  }
0x6e: {  	_ =	shalt  }
0x6f: {  	_ =	shalt  }
0x70: {  	_ =	shalt  }
0x71: {  	_ =	shalt  }
0x72: {  	_ =	shalt  }
0x73: {  	_ =	shalt  }
0x74: {  	_ =	shalt  }
0x75: {  	_ =	shalt  }
0x76: {  	_ =	shalt  }
0x77: {  	_ =	shalt  }
0x78: {  	_ =	shalt  }
0x79: {  	_ =	shalt  }
0x7a: {  	_ =	shalt  }
0x7b: {  	_ =	shalt  }
0x7c: {  	_ =	shalt  }
0x7d: {  	_ =	shalt  }
0x7e: {  	_ =	shalt  }
0x7f: {  	_ =	shalt  }
0x80: {  	_ =	shalt  }
0x81: {  	_ =	shalt  }
0x82: {  	_ =	shalt  }
0x83: {  	_ =	shalt  }
0x84: {  	_ =	shalt  }
0x85: {  	_ =	shalt  }
0x86: {  	_ =	shalt  }
0x87: {  	_ =	shalt  }
.Lfunc_end0:
.L_simem_size_0:
called_computation_lowered:
.L_overlay_start_0:
0x88: {  	s2 =	sld [smem:$0x3FD9]  }
0x89: {  	s3 =	sld [smem:$0x3FFE];
	_ =	sdelay $0x1  }
0x8a: {  	s1 =	srdreg.scid  }
0x8b: {  	s0 =	sand.u32 $0x1, s1  }
0x8c: {  	s17 =	sshll.u32 s0, $0xA;
	s2 =	sadd.s32 s3, s2  }
0x8d: {  	s2 =	sadd.s32 s2, s17  }
0x8e: {  	[smem:$0x3FBD] =	sst s2  }
0x8f: {  	_ = 	snop  }
0x90: {  	s2 =	sld [smem:$0x3FD0];
	(tm) =	ssettm $0x1  }
0x91: {  	s18 =	sld [smem:$0x3FFB];
	_ =	sdelay $0x3  }
0x92: {  	_ =	strace s18  }
0x93: {  	s3 =	sld [smem:$0x3FFC];
	_ =	sdelay $0x3  }
0x94: {  	_ =	strace s3  }
0x95: {  	s3 =	sld [smem:$0x3FFD];
	_ =	sdelay $0x3  }
0x96: {  	_ =	strace s3  }
0x97: {  	_ =	strace $0x8FFFFFFF  }
0x98: {  	s19 =	sld [smem:$0x3FDB];
	_ =	sdelay $0x1  }
0x99: {  	s4 =	simm.s32 $_scs_section_size  }
0x9a: {  	s5 =	simm.s32 $_size__tile_overlayer_lowered;
	s6 =	simm.s32 $_tile_overlayer_lowered  }
0x9b: {  	s22 =	simm.s32 $0x1BFF;
	s21 =	sshll.u32 s6, $0x1;
	s3 =	sadd.s32 s4, s19  }
0x9c: {  	s7 =	simm.s32 $0x0;
	s20 =	sshll.u32 s5, $0x1;
	s5 =	sadd.s32 s21, s3  }
0x9d: {  	[timem:s7], [sflag:s22] =	dma.local [hbm:s5], s20  }
0x9e: {  	_ =	swait.ge [sflag:s22], s20  }
0x9f: {  	s4 =	ssub.s32 $0x0, s20;
	[sflag:s22] =	ssyncset.done $0x0  }
0xa0: {  	[sflag:s22] =	ssyncadd.s32 s4;
	_ =	sdelay $0x1  }
0xa1: {  	s23 =	simm.s32 $0x1B8B  }
0xa2: {  	_ =	swait.ge [sflag:s23], $0x1  }
0xa3: {  	[sflag:s23] =	ssyncset.done $0x0  }
0xa4: {  	s25 =	simm.s32 $0x1B8E;
	s24 =	sld [smem:$0x3FFE];
	[sflag:s23] =	ssyncadd.s32 $0xFFFFFFFF  }
0xa5: {  	s26 =	simm.s32 $execute0_lowered;
	[smem:$0x3FD2] =	sst s25  }
0xa6: {  	s5 =	sshll.u32 s26, $0x1;
	_ =	strace $0x80000046;
	[dreg:$0x1] =	wrdreg $0xFFFFFFFF  }
0xa7: {  	s28 =	simm.s32 $_size_execute0_lowered;
	s3 =	sadd.s32 s3, s5;
	[dreg:$0x0] =	wrdreg $0x0  }
0xa8: {  	s5 =	sshll.u32 s28, $0x1;
	[dreg:$0x2] =	wrdreg s3  }
0xa9: {  	[dreg:$0x3] =	wrdreg s5  }
0xaa: {  	[dreg:$0x4] =	wrdreg $0xC0  }
0xab: {  	_ =	task [dreg:s7], $0x5FFFF  }
0xac: {  	[dreg:$0x1] =	wrdreg $0xFFFFFFFF  }
0xad: {  	[dreg:$0x0] =	wrdreg $0x60  }
0xae: {  	[dreg:$0x2] =	wrdreg s2  }
0xaf: {  	[dreg:$0x3] =	wrdreg s24  }
0xb0: {  	[dreg:$0x4] =	wrdreg $0x9  }
0xb1: {  	_ =	task.clear_ibuf [dreg:s7], $0x5FFFF;
	_ =	strace $0x90000046  }
0xb2: {  	s29 =	simm.s32 $0x9;
	_ =	strace $0x80000048  }
0xb3: {  	_ =	swait.ge [sflag:s29], $0x1  }
0xb4: {  	[sflag:s29] =	ssyncadd.s32 $0xFFFFFFFF  }
0xb5: {  	_ =	strace $0x90000048  }
0xb6: {  	_ =	sfence  }
0xb7: {  	s30 =	sld [smem:$0x0];
	_ =	sdelay $0x2  }
0xb8: {  	s31 =	sshll.u32 s1, $0xD;
	s1 =	sshrl.u32 s1, $0x2  }
0xb9: {  	s3 =	sand.u32 $0x4000, s31;
	s1 =	sadd.s32 s1, s30  }
0xba: {  	s0 =	sor.u32 s3, s0;
	s1 =	sshll.u32 s1, $0x11  }
0xbb: {  	s0 =	sor.u32 s1, s0  }
0xbc: {  	s0 =	sadd.s32 $0x8F2B, s0  }
0xbd: {  	[sflag:s0] =	ssyncadd.remote.s32 $0x1  }
0xbe: {  	_ =	sfence.sel $0xFFFF  }
0xbf: {  	[dreg:$0x0] =	wrdreg $0xFFFFFFFF;
	(pc) =	sbr.abs _section_cstart, $3  }
0xc0: {  	[dreg:$0x1] =	wrdreg $0xFFFFFFFF  }
0xc1: {  	_ =	task.clear_ibuf [dreg:s7], $0x2FFFF;
	_ =	strace $0x9FFFFFFF  }
0xc2: {  	(tm) =	ssettm $0x7FFFFFFF  }
0xc3: {  	_ =	shalt  }
tec
execute0_lowered:
.L_overlay_start_1:
0x0: {  	(tag) =	ssettag $0x1  }
0x1: {  	s3 =	rddreg [dreg:$0x0];
	s1 =	srdreg.scid  }
0x2: {  	s0 =	stileid.u32;
	s4 =	rddreg [dreg:$0x1];
	s2 =	simm.s32 $0x0  }
0x3: {  	s9 =	simm.s32 $0x8000;
	s5 =	sand.u32 $0x1, s1;
	s1 =	rddreg [dreg:$0x2]  }
0x4: {  	s10 =	simm.s32 $0x0;
	s6 =	sshll.u32 s0, $0x1;
	[smem:$0x7FF] =	sst s2  }
0x5: {  	s31 =	sshll.u32 s0, $0xD;
	s6 =	sor.u32 s5, s6;
	_ =	strace $0x80000047  }
0x6: {  	s5 =	ssub.s32 $0x2, s5;
	s7 =	sshll.u32 s6, $0xB;
	s6 =	sshll.u32 s6, $0x4  }
0x7: {  	v0 =	vlaneseq.u32;
	s8 =	sshrl.u32 s5, $0x1;
	s4 =	sadd.s32 s7, s4;
	s7 =	sand.u32 $0x18000, s31  }
0x8: {  	v2 =	vmul.u32 $0xFFFFFFFF, v0;
	s6 =	sand.u32 $0x70, s6;
	s5 =	ssub.s32 s5, s8;
	s8 =	simm.s32 $0x1  }
0x9: {  	s3 =	sadd.s32 s3, s7;
	s4 =	sadd.s32 $0x41400, s4;
	s5 =	smax.u32 s5, $0x1  }
0xa: {  	v1 =	vadd.s32 $0x1, v0;
	v2 =	vadd.s32 $0xF, v2;
	s7 =	simm.s32 $0x400;
	s3 =	sadd.s32 s6, s3;
	s6 =	simm.s32 $0x80  }
.LBB2_1:
0xb: {  	[tilespmem:s2], [sflag:$0x1] =	stream.strided.gather [hbm4b:s3+s6], $0x8000, s7, s6, $0x38;
	[tilespmem:$0xC000] =	vst v63  }
0xc: {  	s11 =	sand.u32 $0xF, s2  }
0xd: {  	s12 =	sshll.u32 s11, $0x2  }
0xe: {  	_ =	swait.ge [sflag:s8], $0x8000;
	s12 =	ssub.s32 $0x0, s12  }
0xf: {  	[sflag:s8] =	ssyncset.done $0x0;
	s12 =	sshra.s32 s12, $0x2  }
0x10: {  	[sflag:s8] =	ssyncadd.s32 $0xFFFF8000;
	s12 =	sadd.s32 $0x0, s12  }
0x11: {  	v3 =	vld [tilespmem:s12+$0x60]  }
0x12: {  	v4 =	vld [tilespmem:s12+$0x40]  }
0x13: {  	v5 =	vld [tilespmem:s12+$0x0];
	_ =	sdelay $0x1  }
0x14: {  	v6 =	vld [tilespmem:s12+$0x20]  }
0x15: {  	v7 =	vmov s11;
	v8 =	vld [tilespmem:s12+$0x10]  }
0x16: {  	vm0 =	vlt.u32 v7, v1;
	v9 =	vld [tilespmem:s12+$0x50];
	(xrf1) =	vsort.dscd.msk.f32 $0xffff, v3, v3  }
0x17: {  	v3 =	vld [tilespmem:s12+$0x30];
	v5 =	vnsel vm0, $0xCE6E6B28, v5;
	(xrf1) =	vsort.dscd.msk.f32 $0xffff, v4, v4  }
0x18: {  	(xrf1) =	vsort.dscd.msk.f32 $0xffff, v5, v5  }
0x19: {  	v53 =	vld [tilespmem:s12+$0x70];
	(xrf1) =	vsort.dscd.msk.f32 $0xffff, v6, v6  }
0x1a: {  	(xrf1) =	vsort.dscd.msk.f32 $0xffff, v8, v8  }
0x1b: {  	(xrf1) =	vsort.dscd.msk.f32 $0xffff, v9, v9  }
0x1c: {  	(xrf1) =	vsort.dscd.msk.f32 $0xffff, v3, v3;
	_ =	sdelay $0x1  }
0x1d: {  	(xrf1) =	vsort.dscd.msk.f32 $0xffff, v53, v53;
	_ =	sdelay $0x5  }
0x1e: {  	v3, _, _ =	vpop (xrf1)  }
0x1f: {  	v54, _, _ =	vpop (xrf1)  }
0x20: {  	v5, _, _ =	vpop (xrf1)  }
0x21: {  	v5 =	vperm.xlane v5, v2;
	v6, _, _ =	vpop (xrf1)  }
0x22: {  	v4 =	vperm.xlane v54, v2;
	v8, _, _ =	vpop (xrf1)  }
0x23: {  	v6 =	vperm.xlane v6, v2;
	v5 =	vmax.f32 v5, v8;
	v55, _, _ =	vpop (xrf1)  }
0x24: {  	v4 =	vmax.f32 v4, v55;
	v56, _, _ =	vpop (xrf1);
	(xrf1) =	vsort.dscd.msk.f32 $0xffff, v5, v5  }
0x25: {  	v3 =	vperm.xlane v3, v2;
	v57 =	vmax.f32 v6, v56;
	(xrf1) =	vsort.dscd.msk.f32 $0xffff, v4, v4  }
0x26: {  	v58, _, _ =	vpop (xrf1);
	(xrf1) =	vsort.dscd.msk.f32 $0xffff, v57, v57  }
0x27: {  	v3 =	vmax.f32 v3, v58  }
0x28: {  	(xrf1) =	vsort.dscd.msk.f32 $0xffff, v3, v3;
	_ =	sdelay $0x9  }
0x29: {  	v3, _, _ =	vpop (xrf1)  }
0x2a: {  	v3 =	vperm.xlane v3, v2;
	v59, _, _ =	vpop (xrf1)  }
0x2b: {  	v5, _, _ =	vpop (xrf1)  }
0x2c: {  	v4 =	vperm.xlane v59, v2;
	v3 =	vmax.f32 v3, v5  }
0x2d: {  	v60, _, _ =	vpop (xrf1);
	(xrf1) =	vsort.dscd.msk.f32 $0xffff, v3, v3  }
0x2e: {  	v3 =	vmax.f32 v4, v60  }
0x2f: {  	(xrf1) =	vsort.dscd.msk.f32 $0xffff, v3, v3;
	_ =	sdelay $0xa  }
0x30: {  	s11 =	ssub.s32 $0x0, s11  }
0x31: {  	v3 =	vld [tilespmem:s11+$0x80];
	v61, _, _ =	vpop (xrf1)  }
0x32: {  	v4 =	vperm.xlane v61, v2  }
0x33: {  	v62, _, _ =	vpop (xrf1)  }
0x34: {  	v4 =	vmax.f32 v4, v62  }
0x35: {  	vm15 =	vgt.u32 v7, v0;
	(xrf1) =	vsort.dscd.msk.f32 $0xffff, v4, v4  }
0x36: {  	v3 =	vnsel vm15, $0xCE6E6B28, v3  }
0x37: {  	(xrf1) =	vsort.dscd.msk.f32 $0xffff, v3, v3;
	_ =	sdelay $0xb  }
0x38: {  	v3, _, _ =	vpop (xrf1)  }
0x39: {  	v3 =	vperm.xlane v3, v2  }
0x3a: {  	v63, _, _ =	vpop (xrf1)  }
0x3b: {  	v3 =	vmax.f32 v3, v63  }
0x3c: {  	(xrf1) =	vsort.dscd.msk.f32 $0xffff, v3, v3;
	_ =	sdelay $0x9  }
0x3d: {  	s14 =	simm.s32 $0x1  }
0x3e: {  	s16 =	simm.s32 $0x404;
	s13 =	sand.u32 $0xF, s14  }
0x3f: {  	s17 =	simm.s32 $0x808;
	s15 =	simm.s32 $0x0;
	s31 =	sshll.u32 s13, $0x2  }
0x40: {  	s18 =	ssub.s32 $0x0, s31;
	s12 =	simm.s32 $0x0;
	s11 =	simm.s32 $0x8000  }
.LBB2_2:
0x41: {  	p0 =	sne.s32 s17, $0x1FDFC;
	s18 =	sshra.s32 s18, $0x2;
	s16 =	sshra.s32 s16, $0x2;
	v3, _, _ =	vpop (xrf1)  }
0x42: {  	s18 =	sadd.s32 s16, s18;
	[tilespmem:s11+$0x0] =	vst v3;
	s16 =	smov.u32 s17  }
0x43: {  	v3 =	vld [tilespmem:s18+$0x60]  }
0x44: {  	v4 =	vld [tilespmem:s18+$0x40]  }
0x45: {  	v5 =	vld [tilespmem:s18+$0x0]  }
0x46: {  	s15 =	sadd.s32 $0x1, s15  }
0x47: {  	s19 =	sand.u32 $0xF, s15;
	v6 =	vld [tilespmem:s18+$0x20]  }
0x48: {  	v7 =	vmov s19;
	v8 =	vld [tilespmem:s18+$0x10]  }
0x49: {  	vm0 =	vlt.u32 v7, v1;
	v9 =	vld [tilespmem:s18+$0x50];
	(xrf1) =	vsort.dscd.msk.f32 $0xffff, v3, v3  }
0x4a: {  	v3 =	vld [tilespmem:s18+$0x30];
	v5 =	vnsel vm0, $0xCE6E6B28, v5;
	(xrf1) =	vsort.dscd.msk.f32 $0xffff, v4, v4  }
0x4b: {  	(xrf1) =	vsort.dscd.msk.f32 $0xffff, v5, v5  }
0x4c: {  	v4 =	vld [tilespmem:s18+$0x70];
	(xrf1) =	vsort.dscd.msk.f32 $0xffff, v6, v6  }
0x4d: {  	(xrf1) =	vsort.dscd.msk.f32 $0xffff, v8, v8  }
0x4e: {  	(xrf1) =	vsort.dscd.msk.f32 $0xffff, v9, v9  }
0x4f: {  	(xrf1) =	vsort.dscd.msk.f32 $0xffff, v3, v3;
	_ =	sdelay $0x1  }
0x50: {  	(xrf1) =	vsort.dscd.msk.f32 $0xffff, v4, v4;
	_ =	sdelay $0x5  }
0x51: {  	v3, _, _ =	vpop (xrf1)  }
0x52: {  	v4, _, _ =	vpop (xrf1)  }
0x53: {  	v5, _, _ =	vpop (xrf1)  }
0x54: {  	v5 =	vperm.xlane v5, v2;
	v6, _, _ =	vpop (xrf1)  }
0x55: {  	v4 =	vperm.xlane v4, v2;
	v8, _, _ =	vpop (xrf1)  }
0x56: {  	v6 =	vperm.xlane v6, v2;
	v5 =	vmax.f32 v5, v8;
	v8, _, _ =	vpop (xrf1)  }
0x57: {  	v9 =	vmax.f32 v4, v8;
	v8, _, _ =	vpop (xrf1);
	(xrf1) =	vsort.dscd.msk.f32 $0xffff, v5, v5  }
0x58: {  	v3 =	vperm.xlane v3, v2;
	v5 =	vmax.f32 v6, v8;
	(xrf1) =	vsort.dscd.msk.f32 $0xffff, v9, v9  }
0x59: {  	v4, _, _ =	vpop (xrf1);
	(xrf1) =	vsort.dscd.msk.f32 $0xffff, v5, v5  }
0x5a: {  	v3 =	vmax.f32 v3, v4  }
0x5b: {  	(xrf1) =	vsort.dscd.msk.f32 $0xffff, v3, v3;
	_ =	sdelay $0x9  }
0x5c: {  	v3, _, _ =	vpop (xrf1)  }
0x5d: {  	v3 =	vperm.xlane v3, v2;
	v4, _, _ =	vpop (xrf1)  }
0x5e: {  	v5, _, _ =	vpop (xrf1)  }
0x5f: {  	v4 =	vperm.xlane v4, v2;
	v3 =	vmax.f32 v3, v5  }
0x60: {  	v5, _, _ =	vpop (xrf1);
	(xrf1) =	vsort.dscd.msk.f32 $0xffff, v3, v3  }
0x61: {  	v3 =	vmax.f32 v4, v5  }
0x62: {  	(xrf1) =	vsort.dscd.msk.f32 $0xffff, v3, v3;
	_ =	sdelay $0x9  }
0x63: {  	s12 =	sadd.s32 $0x101, s12  }
0x64: {  	s13 =	ssub.s32 s12, s13  }
0x65: {  	v3 =	vld [tilespmem:s13+$0x80];
	v4, _, _ =	vpop (xrf1)  }
0x66: {  	v4 =	vperm.xlane v4, v2  }
0x67: {  	v5, _, _ =	vpop (xrf1)  }
0x68: {  	v4 =	vmax.f32 v4, v5  }
0x69: {  	vm0 =	vgt.u32 v7, v0;
	(xrf1) =	vsort.dscd.msk.f32 $0xffff, v4, v4  }
0x6a: {  	v3 =	vnsel vm0, $0xCE6E6B28, v3  }
0x6b: {  	(xrf1) =	vsort.dscd.msk.f32 $0xffff, v3, v3;
	_ =	sdelay $0xb  }
0x6c: {  	v3, _, _ =	vpop (xrf1)  }
0x6d: {  	v3 =	vperm.xlane v3, v2  }
0x6e: {  	v4, _, _ =	vpop (xrf1)  }
0x6f: {  	v3 =	vmax.f32 v3, v4  }
0x70: {  	(xrf1) =	vsort.dscd.msk.f32 $0xffff, v3, v3;
	_ =	sdelay $0x8  }
.Ltmp0:
0x71: {  	(pc) =	sbr.rel @p0 .LBB2_2-.Ltmp0, $4  }
0x72: {  	s14 =	sadd.s32 $0x1, s14  }
0x73: {  	s13 =	sand.u32 $0xF, s14  }
0x74: {  	s18 =	sshll.u32 s13, $0x2  }
0x75: {  	s17 =	sadd.s32 $0x404, s17;
	s11 =	sadd.s32 $0x80, s11;
	s18 =	ssub.s32 $0x0, s18  }
0x76: {  	s14 =	sshra.s32 s18, $0x2;
	s16 =	sshra.s32 s16, $0x2;
	v3, _, _ =	vpop (xrf1)  }
0x77: {  	s14 =	sadd.s32 s16, s14;
	[tilespmem:s11+$0x0] =	vst v3  }
0x78: {  	v3 =	vld [tilespmem:s14+$0x60]  }
0x79: {  	v4 =	vld [tilespmem:s14+$0x40]  }
0x7a: {  	v5 =	vld [tilespmem:s14+$0x0]  }
0x7b: {  	s15 =	sadd.s32 $0x1, s15  }
0x7c: {  	s15 =	sand.u32 $0xF, s15;
	v6 =	vld [tilespmem:s14+$0x20]  }
0x7d: {  	v7 =	vmov s15;
	v8 =	vld [tilespmem:s14+$0x10]  }
0x7e: {  	v9 =	vld [tilespmem:s14+$0x50];
	vm0 =	vlt.u32 v7, v1;
	(xrf1) =	vsort.dscd.msk.f32 $0xffff, v3, v3  }
0x7f: {  	v3 =	vld [tilespmem:s14+$0x30];
	v5 =	vnsel vm0, $0xCE6E6B28, v5;
	(xrf1) =	vsort.dscd.msk.f32 $0xffff, v4, v4  }
0x80: {  	(xrf1) =	vsort.dscd.msk.f32 $0xffff, v5, v5  }
0x81: {  	v53 =	vld [tilespmem:s14+$0x70];
	(xrf1) =	vsort.dscd.msk.f32 $0xffff, v6, v6  }
0x82: {  	(xrf1) =	vsort.dscd.msk.f32 $0xffff, v8, v8  }
0x83: {  	(xrf1) =	vsort.dscd.msk.f32 $0xffff, v9, v9  }
0x84: {  	(xrf1) =	vsort.dscd.msk.f32 $0xffff, v3, v3;
	_ =	sdelay $0x1  }
0x85: {  	(xrf1) =	vsort.dscd.msk.f32 $0xffff, v53, v53;
	_ =	sdelay $0x5  }
0x86: {  	v3, _, _ =	vpop (xrf1)  }
0x87: {  	v54, _, _ =	vpop (xrf1)  }
0x88: {  	v5, _, _ =	vpop (xrf1)  }
0x89: {  	v5 =	vperm.xlane v5, v2;
	v6, _, _ =	vpop (xrf1)  }
0x8a: {  	v4 =	vperm.xlane v54, v2;
	v8, _, _ =	vpop (xrf1)  }
0x8b: {  	v6 =	vperm.xlane v6, v2;
	v5 =	vmax.f32 v5, v8;
	v55, _, _ =	vpop (xrf1)  }
0x8c: {  	v4 =	vmax.f32 v4, v55;
	v56, _, _ =	vpop (xrf1);
	(xrf1) =	vsort.dscd.msk.f32 $0xffff, v5, v5  }
0x8d: {  	v3 =	vperm.xlane v3, v2;
	v57 =	vmax.f32 v6, v56;
	(xrf1) =	vsort.dscd.msk.f32 $0xffff, v4, v4  }
0x8e: {  	v58, _, _ =	vpop (xrf1);
	(xrf1) =	vsort.dscd.msk.f32 $0xffff, v57, v57  }
0x8f: {  	v3 =	vmax.f32 v3, v58  }
0x90: {  	(xrf1) =	vsort.dscd.msk.f32 $0xffff, v3, v3;
	_ =	sdelay $0x9  }
0x91: {  	v3, _, _ =	vpop (xrf1)  }
0x92: {  	v3 =	vperm.xlane v3, v2;
	v59, _, _ =	vpop (xrf1)  }
0x93: {  	v5, _, _ =	vpop (xrf1)  }
0x94: {  	v4 =	vperm.xlane v59, v2;
	v3 =	vmax.f32 v3, v5  }
0x95: {  	v60, _, _ =	vpop (xrf1);
	(xrf1) =	vsort.dscd.msk.f32 $0xffff, v3, v3  }
0x96: {  	v3 =	vmax.f32 v4, v60  }
0x97: {  	(xrf1) =	vsort.dscd.msk.f32 $0xffff, v3, v3;
	_ =	sdelay $0x9  }
0x98: {  	s12 =	sadd.s32 $0x101, s12  }
0x99: {  	s12 =	ssub.s32 s12, s13  }
0x9a: {  	v3 =	vld [tilespmem:s12+$0x80];
	v61, _, _ =	vpop (xrf1)  }
0x9b: {  	v4 =	vperm.xlane v61, v2  }
0x9c: {  	v62, _, _ =	vpop (xrf1)  }
0x9d: {  	v4 =	vmax.f32 v4, v62  }
0x9e: {  	vm15 =	vgt.u32 v7, v0;
	(xrf1) =	vsort.dscd.msk.f32 $0xffff, v4, v4  }
0x9f: {  	v3 =	vnsel vm15, $0xCE6E6B28, v3  }
0xa0: {  	(xrf1) =	vsort.dscd.msk.f32 $0xffff, v3, v3;
	_ =	sdelay $0xb  }
0xa1: {  	v3, _, _ =	vpop (xrf1)  }
0xa2: {  	v3 =	vperm.xlane v3, v2  }
0xa3: {  	v63, _, _ =	vpop (xrf1)  }
0xa4: {  	v3 =	vmax.f32 v3, v63  }
0xa5: {  	(xrf1) =	vsort.dscd.msk.f32 $0xffff, v3, v3;
	_ =	sdelay $0xc  }
0xa6: {  	s10 =	sadd.s32 $0x1, s10  }
0xa7: {  	s31 =	sadd.s32 $0x80, s11;
	p0 =	sne.s32 s10, s5;
	v3, _, _ =	vpop (xrf1)  }
.Ltmp1:
0xa8: {  	[tilespmem:s31+$0x0] =	vst v3;
	(pc) =	sbr.rel @p0 .LBB2_1-.Ltmp1, $4  }
0xa9: {  	[hbm4b:s4+s2] =	stream.linear.scatter [tilespmem:s9], [sflag:$0x1], $0x4000, $0x38;
	[tilespmem:$0xC000] =	vst v63  }
0xaa: {  	_ =	swait.ge [sflag:s8], $0x4000  }
0xab: {  	[sflag:s8] =	ssyncset.done $0x0  }
0xac: {  	[sflag:s8] =	ssyncadd.s32 $0xFFFFC000  }
0xad: {  	_ =	sfence.sel $0x180000  }
0xae: {  	[bflag:$0x0] =	sbarrier.arrive $0xFFFF  }
0xaf: {  	p0 =	sne.s32 s0, $0x0;
	_ =	strace $0x90000047  }
0xb0: {  	s0 =	sadd.s32 @!p0 $0x100000, s1;
	[bflag:$0x2] =	sbarrier.arrive $0xFFFF  }
0xb1: {  	[sflag:s0] =	ssyncadd.tile.s32 @!p0 $0x1;
	_ =	shalt  }
.Lfunc_end2:
_tile_overlayer_lowered:
.L_overlay_start_2:
0xb2: {  	(tag) =	ssettag $0x2  }
0xb3: {  	s0 =	rddreg [dreg:$0x0];
	s2 =	stileid.u32  }
0xb4: {  	s1 =	rddreg [dreg:$0x1];
	p0 =	sne.s32 s2, $0x0  }
0xb5: {  	s3 =	rddreg [dreg:$0x2];
	[bflag:$0x3] =	sbarrier.arrive $0xFFFF;
	s2 =	simm.s32 @!p0 $0x1C01  }
0xb6: {  	[timem:s3], [sflag:s2] =	dma.local @!p0 [hbm:s0], s1  }
0xb7: {  	s0 =	simm.s32 @!p0 $0x1  }
0xb8: {  	_ =	swait.ge @!p0 [sflag:s0], s1  }
0xb9: {  	s1 =	ssub.s32 @!p0 $0x0, s1;
	[sflag:s0] =	ssyncset.done @!p0 $0x0  }
0xba: {  	[sflag:s0] =	ssyncadd.s32 @!p0 s1  }
0xbb: {  	[bflag:$0x3] =	sbarrier.arrive $0xFFFF  }
0xbc: {  	_ =	shalt  }

</sc_bundles>
